<compile_context>
chip_gen: v7x
topology: tpu7x:2x2x1
jax: 0.10.2.dev20260603
libtpu: 0.0.44.dev20260713+nightly
codegen_flags: <defaults>
</compile_context>

<pallas_src>
import functools

import jax
import jax.numpy as jnp
from jax import lax
from jax.experimental import pallas as pl
from jax.experimental.pallas import tpu as pltpu
from jax.experimental.pallas import tpu_sc as plsc

B, L = 4096, 200
NTOK = B * L
HTOK = NTOK // 2
EMB_DIM = 64
HID = 8

NC, NS = 2, 16
NW = NC * NS
TOK_PER_W = NTOK // NW
CHUNK = 1024
STREAM = 128
N_STEPS = TOK_PER_W // CHUNK
N_SUB = CHUNK // STREAM


def _sc_gather_body(table_hbm, idx_hbm, out_hbm, idx_v, rows_v, sem):
    wid = lax.axis_index("s") * NC + lax.axis_index("c")
    base = wid * TOK_PER_W
    row_base = base % HTOK
    col0 = (base // HTOK) * EMB_DIM

    def step(i, _):
        off = base + i * CHUNK
        pltpu.sync_copy(idx_hbm.at[pl.ds(off, CHUNK)], idx_v)
        copies = []
        for j in range(N_SUB):
            copies.append(
                pltpu.async_copy(
                    table_hbm.at[idx_v.at[pl.ds(j * STREAM, STREAM)]],
                    rows_v.at[pl.ds(j * STREAM, STREAM)],
                    sem,
                )
            )
        for c in copies:
            c.wait()
        pltpu.sync_copy(
            rows_v,
            out_hbm.at[pl.ds(row_base + i * CHUNK, CHUNK), pl.ds(col0, EMB_DIM)],
        )
        return ()

    lax.fori_loop(0, N_STEPS, step, (), unroll=False)


def _sc_gather(table, idx_flat):
    mesh = plsc.VectorSubcoreMesh(core_axis_name="c", subcore_axis_name="s")
    k = functools.partial(
        pl.kernel,
        mesh=mesh,
        out_type=jax.ShapeDtypeStruct((HTOK, 2 * EMB_DIM), jnp.float32),
        scratch_types=[
            pltpu.VMEM((CHUNK,), jnp.int32),
            pltpu.VMEM((CHUNK, EMB_DIM), jnp.float32),
            pltpu.SemaphoreType.DMA,
        ],
        compiler_params=pltpu.CompilerParams(use_tc_tiling_on_sc=False),
    )(_sc_gather_body)
    return k(table, idx_flat)


BLK = 2048
GRID = HTOK // BLK


def _tc_body(xlo, xhi, vlo, vhi, clo, chi, w1t, b1t, w1v, b1v, wcat, gath, out):
    w1tc, b1tc, w1vc, b1vc = w1t[...], b1t[...], w1v[...], b1v[...]
    wc = wcat[...]

    def cve(x, v, cm):
        h_t = jnp.tanh(x * w1tc + b1tc)
        h_v = jnp.tanh(v * w1vc + b1vc) * cm
        h = jnp.concatenate([h_t, h_v], axis=0)
        return lax.dot_general(
            h, wc, (((0,), (0,)), ((), ())),
            preferred_element_type=jnp.float32,
        )

    g = gath[...]
    lo = cve(xlo[0], vlo[0], clo[0]) + g[:, :EMB_DIM]
    hi = cve(xhi[0], vhi[0], chi[0]) + g[:, EMB_DIM:]
    out[...] = jnp.concatenate([lo, hi], axis=1)


def _tc_fused(xt, xv, cmf, w1t, b1t, w1v, b1v, wcat, gath):
    row = lambda i: (i, 0)
    zero = lambda i: (0, 0)
    lo3 = lambda i: (i, 0, 0)
    hi3 = lambda i: (i + GRID, 0, 0)
    xspec = lambda f: pl.BlockSpec((1, 1, BLK), f)
    specs = [
        xspec(lo3), xspec(hi3),
        xspec(lo3), xspec(hi3),
        xspec(lo3), xspec(hi3),
        pl.BlockSpec((HID, 1), zero),
        pl.BlockSpec((HID, 1), zero),
        pl.BlockSpec((HID, 1), zero),
        pl.BlockSpec((HID, 1), zero),
        pl.BlockSpec((2 * HID, EMB_DIM), zero),
        pl.BlockSpec((BLK, 2 * EMB_DIM), row),
    ]
    return pl.pallas_call(
        _tc_body,
        grid=(GRID,),
        in_specs=specs,
        out_specs=pl.BlockSpec((BLK, 2 * EMB_DIM), row),
        out_shape=jax.ShapeDtypeStruct((HTOK, 2 * EMB_DIM), jnp.float32),
    )(xt, xt, xv, xv, cmf, cmf, w1t, b1t, w1v, b1v, wcat, gath)


MRB = 128


def _mask_body(vid, mask):
    mask[...] = jnp.clip(vid[...].astype(jnp.float32), 0.0, 1.0)


def _tc_mask(var_id):
    row = lambda i: (i, 0)
    return pl.pallas_call(
        _mask_body,
        grid=(B // MRB,),
        in_specs=[pl.BlockSpec((MRB, L), row)],
        out_specs=pl.BlockSpec((MRB, L), row),
        out_shape=jax.ShapeDtypeStruct((B, L), jnp.float32),
    )(var_id)


def kernel(time, value, var_id, category_mask, W1_t, b1_t, W2_t, W1_v, b1_v, W2_v, emb_table):
    idx_flat = var_id.reshape(NTOK)
    gath = _sc_gather(emb_table, idx_flat)

    n3 = 2 * GRID
    xt = time.reshape(n3, 1, BLK)
    xv = value.reshape(n3, 1, BLK)
    cmf = category_mask.astype(jnp.float32).reshape(n3, 1, BLK)
    wcat = jnp.concatenate([W2_t, W2_v], axis=0)
    out2 = _tc_fused(
        xt, xv, cmf,
        W1_t.reshape(HID, 1), b1_t.reshape(HID, 1),
        W1_v.reshape(HID, 1), b1_v.reshape(HID, 1),
        wcat, gath,
    )
    sum_emb = (
        out2.reshape(HTOK, 2, EMB_DIM)
        .transpose(1, 0, 2)
        .reshape(B, L, EMB_DIM)
    )
    mask = _tc_mask(var_id)
    return sum_emb, mask

# --- scband reference (transcript-rebuilt; emitter-appended) ---
"""Pipeline reference for scband-sequential-encoder-3659312136364 (READ-ONLY COPY).

The authoritative reference and input builder live on the scoring server;
editing this copy changes nothing except your own understanding.
"""

import jax, jax.numpy as jnp
import numpy as np

B, L = 4096, 200
NUM_VAR, EMB_DIM = 100000, 64
HID = int(np.sqrt(EMB_DIM))


def setup_inputs(seed: int = 0) -> dict:
    key = jax.random.key(seed)
    ks = jax.random.split(key, 9)
    time = jax.random.normal(ks[0], (B, L), dtype=jnp.float32)
    value = jax.random.normal(ks[1], (B, L), dtype=jnp.float32)
    var_id = jax.random.randint(ks[2], (B, L), 0, NUM_VAR + 1)
    category_mask = jax.random.randint(ks[3], (B, L), 0, 2).astype(jnp.int32)
    s1 = float(np.sqrt(6.0 / (1 + HID)))
    s2 = float(np.sqrt(6.0 / (HID + EMB_DIM)))
    W1_t = jax.random.uniform(ks[4], (1, HID), minval=-s1, maxval=s1, dtype=jnp.float32)
    b1_t = jnp.zeros((HID,), dtype=jnp.float32)
    W2_t = jax.random.uniform(ks[5], (HID, EMB_DIM), minval=-s2, maxval=s2, dtype=jnp.float32)
    W1_v = jax.random.uniform(ks[6], (1, HID), minval=-s1, maxval=s1, dtype=jnp.float32)
    b1_v = jnp.zeros((HID,), dtype=jnp.float32)
    W2_v = jax.random.uniform(ks[7], (HID, EMB_DIM), minval=-s2, maxval=s2, dtype=jnp.float32)
    emb_table = jax.random.uniform(ks[8], (NUM_VAR + 1, EMB_DIM), minval=-0.05, maxval=0.05, dtype=jnp.float32)
    return {
        "time": time,
        "value": value,
        "var_id": var_id,
        "category_mask": category_mask,
        "W1_t": W1_t,
        "b1_t": b1_t,
        "W2_t": W2_t,
        "W1_v": W1_v,
        "b1_v": b1_v,
        "W2_v": W2_v,
        "emb_table": emb_table,
    }


def _cve(x, W1, b1, W2):
    # x: [B, L] -> [B, L, 1] -> tanh(x @ W1 + b1) @ W2 -> [B, L, EMB_DIM]
    h = jnp.tanh(jnp.matmul(x[..., None], W1) + b1)
    return jnp.matmul(h, W2)


def reference(time, value, var_id, category_mask, W1_t, b1_t, W2_t, W1_v, b1_v, W2_v, emb_table):
    time_emb = _cve(time, W1_t, b1_t, W2_t)
    values_emb = _cve(value, W1_v, b1_v, W2_v)
    cmask = category_mask[..., None].astype(jnp.float32)
    values_emb = values_emb * cmask
    var_id_emb = jnp.take(emb_table, var_id, axis=0)
    sum_emb = time_emb + values_emb + var_id_emb
    padding_mask = jnp.clip(var_id.astype(jnp.float32), 0.0, 1.0)
    return (sum_emb, padding_mask)

if __name__ == "__main__":
    import jax
    _d = setup_inputs()
    print(jax.jit(kernel)(*tuple(_d.values())))

</pallas_src>

<mosaic_0001>
#map = affine_map<(d0, d1) -> (0, 0)>
#map1 = affine_map<(d0, d1) -> (0)>
module attributes {stable_mosaic.version = 14 : i64} {
  func.func @_sc_gather_body(%arg0: i32, %arg1: i32, %arg2: memref<100001x64xf32, #tpu.memory_space<hbm>>, %arg3: memref<819200xi32, #tpu.memory_space<hbm>>, %arg4: memref<409600x128xf32, #tpu.memory_space<hbm>>, %arg5: memref<1024xi32, #tpu.memory_space<vmem>>, %arg6: memref<1024x64xf32, #tpu.memory_space<vmem>>, %arg7: memref<!tpu.dma_semaphore, #tpu.memory_space<semaphore_mem>>) attributes {dimension_semantics = [#tpu.dimension_semantics<core_parallel>, #tpu.dimension_semantics<subcore_parallel>], iteration_bounds = array<i64: 2, 16>, scalar_prefetch = 0 : i64, scratch_operands = 3 : i64, tpu.core_type = #tpu.core_type<sc_vector_subcore>, window_params = [{transform_indices = #map}, {transform_indices = #map1}, {transform_indices = #map}]} {
    %mul3A = arith.constant 2 : i32
    %mul3A_0 = arith.muli %arg1, %mul3A : i32
    %add3A = arith.addi %mul3A_0, %arg0 : i32
    %mul3A_1 = arith.constant 25600 : i32
    %mul3A_2 = arith.muli %add3A, %mul3A_1 : i32
    %jit3A = arith.constant 409600 : i32
    %eq3A = arith.constant 0 : i32
    %eq3A_3 = arith.cmpi eq, %jit3A, %eq3A : i32
    %jit3A_4 = arith.constant 1 : i32
    %select_n3A = arith.select %eq3A_3, %jit3A_4, %jit3A : i32
    %rem3A = arith.remsi %mul3A_2, %select_n3A : i32
    %ne3A = arith.constant 0 : i32
    %ne3A_5 = arith.cmpi ne, %rem3A, %ne3A : i32
    %lt3A = arith.constant 0 : i32
    %lt3A_6 = arith.cmpi slt, %rem3A, %lt3A : i32
    %lt3A_7 = arith.constant 0 : i32
    %lt3A_8 = arith.cmpi slt, %select_n3A, %lt3A_7 : i32
    %ne3A_9 = arith.xori %lt3A_6, %lt3A_8 : i1
    %and3A = arith.andi %ne3A_9, %ne3A_5 : i1
    %add3A_10 = arith.addi %rem3A, %select_n3A : i32
    %select_n3A_11 = arith.select %and3A, %add3A_10, %rem3A : i32
    %jit3A_12 = arith.constant 409600 : i32
    %div3A = arith.divsi %mul3A_2, %jit3A_12 : i32
    %sign3A = arith.constant 0 : i32
    %sign3A_13 = arith.cmpi sgt, %mul3A_2, %sign3A : i32
    %sign3A_14 = arith.extui %sign3A_13 : i1 to i32
    %sign3A_15 = arith.constant 0 : i32
    %sign3A_16 = arith.cmpi slt, %mul3A_2, %sign3A_15 : i32
    %sign3A_17 = arith.extui %sign3A_16 : i1 to i32
    %sign3A_18 = arith.subi %sign3A_14, %sign3A_17 : i32
    %sign3A_19 = arith.constant 0 : i32
    %sign3A_20 = arith.cmpi sgt, %jit3A_12, %sign3A_19 : i32
    %sign3A_21 = arith.extui %sign3A_20 : i1 to i32
    %sign3A_22 = arith.constant 0 : i32
    %sign3A_23 = arith.cmpi slt, %jit3A_12, %sign3A_22 : i32
    %sign3A_24 = arith.extui %sign3A_23 : i1 to i32
    %sign3A_25 = arith.subi %sign3A_21, %sign3A_24 : i32
    %ne3A_26 = arith.cmpi ne, %sign3A_18, %sign3A_25 : i32
    %rem3A_27 = arith.remsi %mul3A_2, %jit3A_12 : i32
    %ne3A_28 = arith.constant 0 : i32
    %ne3A_29 = arith.cmpi ne, %rem3A_27, %ne3A_28 : i32
    %and3A_30 = arith.andi %ne3A_26, %ne3A_29 : i1
    %sub3A = arith.constant 1 : i32
    %sub3A_31 = arith.subi %div3A, %sub3A : i32
    %select_n3A_32 = arith.select %and3A_30, %sub3A_31, %div3A : i32
    %mul3A_33 = arith.constant 64 : i32
    %mul3A_34 = arith.muli %select_n3A_32, %mul3A_33 : i32
    %scan3A = arith.constant 0 : i32
    %scan3A_35 = arith.constant 25 : i32
    %scan3A_36 = arith.addi %scan3A, %scan3A_35 : i32
    %scan3A_37 = arith.constant 1 : i32
    scf.for %scan3A_39 = %scan3A to %scan3A_36 step %scan3A_37  : i32 {
      %mul3A_40 = arith.constant 1024 : i32
      %mul3A_41 = arith.muli %scan3A_39, %mul3A_40 : i32
      %add3A_42 = arith.addi %mul3A_2, %mul3A_41 : i32
      "tpu.region"() ({
        %run_scoped3A = tpu.sem_alloc : memref<!tpu.dma_semaphore, #tpu.memory_space<semaphore_mem>>
        %dma_start3A_172 = tpu.memref_slice %arg3[%add3A_42] : memref<819200xi32, #tpu.memory_space<hbm>> -> memref<1024xi32, #tpu.memory_space<hbm>>
        %dma_start3A_173 = tpu.memref_slice %arg3[%add3A_42] : memref<819200xi32, #tpu.memory_space<hbm>> -> memref<1024xi32, #tpu.memory_space<hbm>>
        tpu.enqueue_dma source(%dma_start3A_173 : memref<1024xi32, #tpu.memory_space<hbm>>) target(%arg5 : memref<1024xi32, #tpu.memory_space<vmem>>) target_semaphore(%run_scoped3A : memref<!tpu.dma_semaphore, #tpu.memory_space<semaphore_mem>>)
        %dma_wait3A_174 = tpu.memref_slice %arg3[%add3A_42] : memref<819200xi32, #tpu.memory_space<hbm>> -> memref<1024xi32, #tpu.memory_space<hbm>>
        %dma_wait3A_175 = tpu.memref_slice %arg3[%add3A_42] : memref<819200xi32, #tpu.memory_space<hbm>> -> memref<1024xi32, #tpu.memory_space<hbm>>
        tpu.wait_dma2 semaphore(%run_scoped3A : memref<!tpu.dma_semaphore, #tpu.memory_space<semaphore_mem>>) src(%dma_wait3A_175 : memref<1024xi32, #tpu.memory_space<hbm>>) dst(%arg5 : memref<1024xi32, #tpu.memory_space<vmem>>)
        tpu.yield
      }) : () -> ()
      %dma_start3A = arith.constant 0 : i32
      %dma_start3A_43 = arith.constant 0 : i32
      %dma_start3A_44 = tpu.memref_slice %arg6[%dma_start3A, %dma_start3A_43] : memref<1024x64xf32, #tpu.memory_space<vmem>> -> memref<128x64xf32, #tpu.memory_space<vmem>>
      %dma_start3A_45 = arith.constant 0 : i32
      %dma_start3A_46 = tpu.memref_slice %arg5[%dma_start3A_45] : memref<1024xi32, #tpu.memory_space<vmem>> -> memref<128xi32, #tpu.memory_space<vmem>>
      %dma_start3A_47 = arith.constant 0 : i32
      %dma_start3A_48 = arith.constant 0 : i32
      %dma_start3A_49 = tpu.memref_slice %arg2[%dma_start3A_47, %dma_start3A_48] : memref<100001x64xf32, #tpu.memory_space<hbm>> -> memref<100001x64xf32, #tpu.memory_space<hbm>>
      tpu.enqueue_indirect_dma source(%dma_start3A_49 : memref<100001x64xf32, #tpu.memory_space<hbm>>) target(%dma_start3A_44 : memref<128x64xf32, #tpu.memory_space<vmem>>) offsets(%dma_start3A_46 : memref<128xi32, #tpu.memory_space<vmem>>) semaphore(%arg7 : memref<!tpu.dma_semaphore, #tpu.memory_space<semaphore_mem>>)
      %dma_start3A_50 = arith.constant 128 : i32
      %dma_start3A_51 = arith.constant 0 : i32
      %dma_start3A_52 = tpu.memref_slice %arg6[%dma_start3A_50, %dma_start3A_51] : memref<1024x64xf32, #tpu.memory_space<vmem>> -> memref<128x64xf32, #tpu.memory_space<vmem>>
      %dma_start3A_53 = arith.constant 128 : i32
      %dma_start3A_54 = tpu.memref_slice %arg5[%dma_start3A_53] : memref<1024xi32, #tpu.memory_space<vmem>> -> memref<128xi32, #tpu.memory_space<vmem>>
      %dma_start3A_55 = arith.constant 0 : i32
      %dma_start3A_56 = arith.constant 0 : i32
      %dma_start3A_57 = tpu.memref_slice %arg2[%dma_start3A_55, %dma_start3A_56] : memref<100001x64xf32, #tpu.memory_space<hbm>> -> memref<100001x64xf32, #tpu.memory_space<hbm>>
      tpu.enqueue_indirect_dma source(%dma_start3A_57 : memref<100001x64xf32, #tpu.memory_space<hbm>>) target(%dma_start3A_52 : memref<128x64xf32, #tpu.memory_space<vmem>>) offsets(%dma_start3A_54 : memref<128xi32, #tpu.memory_space<vmem>>) semaphore(%arg7 : memref<!tpu.dma_semaphore, #tpu.memory_space<semaphore_mem>>)
      %dma_start3A_58 = arith.constant 256 : i32
      %dma_start3A_59 = arith.constant 0 : i32
      %dma_start3A_60 = tpu.memref_slice %arg6[%dma_start3A_58, %dma_start3A_59] : memref<1024x64xf32, #tpu.memory_space<vmem>> -> memref<128x64xf32, #tpu.memory_space<vmem>>
      %dma_start3A_61 = arith.constant 256 : i32
      %dma_start3A_62 = tpu.memref_slice %arg5[%dma_start3A_61] : memref<1024xi32, #tpu.memory_space<vmem>> -> memref<128xi32, #tpu.memory_space<vmem>>
      %dma_start3A_63 = arith.constant 0 : i32
      %dma_start3A_64 = arith.constant 0 : i32
      %dma_start3A_65 = tpu.memref_slice %arg2[%dma_start3A_63, %dma_start3A_64] : memref<100001x64xf32, #tpu.memory_space<hbm>> -> memref<100001x64xf32, #tpu.memory_space<hbm>>
      tpu.enqueue_indirect_dma source(%dma_start3A_65 : memref<100001x64xf32, #tpu.memory_space<hbm>>) target(%dma_start3A_60 : memref<128x64xf32, #tpu.memory_space<vmem>>) offsets(%dma_start3A_62 : memref<128xi32, #tpu.memory_space<vmem>>) semaphore(%arg7 : memref<!tpu.dma_semaphore, #tpu.memory_space<semaphore_mem>>)
      %dma_start3A_66 = arith.constant 384 : i32
      %dma_start3A_67 = arith.constant 0 : i32
      %dma_start3A_68 = tpu.memref_slice %arg6[%dma_start3A_66, %dma_start3A_67] : memref<1024x64xf32, #tpu.memory_space<vmem>> -> memref<128x64xf32, #tpu.memory_space<vmem>>
      %dma_start3A_69 = arith.constant 384 : i32
      %dma_start3A_70 = tpu.memref_slice %arg5[%dma_start3A_69] : memref<1024xi32, #tpu.memory_space<vmem>> -> memref<128xi32, #tpu.memory_space<vmem>>
      %dma_start3A_71 = arith.constant 0 : i32
      %dma_start3A_72 = arith.constant 0 : i32
      %dma_start3A_73 = tpu.memref_slice %arg2[%dma_start3A_71, %dma_start3A_72] : memref<100001x64xf32, #tpu.memory_space<hbm>> -> memref<100001x64xf32, #tpu.memory_space<hbm>>
      tpu.enqueue_indirect_dma source(%dma_start3A_73 : memref<100001x64xf32, #tpu.memory_space<hbm>>) target(%dma_start3A_68 : memref<128x64xf32, #tpu.memory_space<vmem>>) offsets(%dma_start3A_70 : memref<128xi32, #tpu.memory_space<vmem>>) semaphore(%arg7 : memref<!tpu.dma_semaphore, #tpu.memory_space<semaphore_mem>>)
      %dma_start3A_74 = arith.constant 512 : i32
      %dma_start3A_75 = arith.constant 0 : i32
      %dma_start3A_76 = tpu.memref_slice %arg6[%dma_start3A_74, %dma_start3A_75] : memref<1024x64xf32, #tpu.memory_space<vmem>> -> memref<128x64xf32, #tpu.memory_space<vmem>>
      %dma_start3A_77 = arith.constant 512 : i32
      %dma_start3A_78 = tpu.memref_slice %arg5[%dma_start3A_77] : memref<1024xi32, #tpu.memory_space<vmem>> -> memref<128xi32, #tpu.memory_space<vmem>>
      %dma_start3A_79 = arith.constant 0 : i32
      %dma_start3A_80 = arith.constant 0 : i32
      %dma_start3A_81 = tpu.memref_slice %arg2[%dma_start3A_79, %dma_start3A_80] : memref<100001x64xf32, #tpu.memory_space<hbm>> -> memref<100001x64xf32, #tpu.memory_space<hbm>>
      tpu.enqueue_indirect_dma source(%dma_start3A_81 : memref<100001x64xf32, #tpu.memory_space<hbm>>) target(%dma_start3A_76 : memref<128x64xf32, #tpu.memory_space<vmem>>) offsets(%dma_start3A_78 : memref<128xi32, #tpu.memory_space<vmem>>) semaphore(%arg7 : memref<!tpu.dma_semaphore, #tpu.memory_space<semaphore_mem>>)
      %dma_start3A_82 = arith.constant 640 : i32
      %dma_start3A_83 = arith.constant 0 : i32
      %dma_start3A_84 = tpu.memref_slice %arg6[%dma_start3A_82, %dma_start3A_83] : memref<1024x64xf32, #tpu.memory_space<vmem>> -> memref<128x64xf32, #tpu.memory_space<vmem>>
      %dma_start3A_85 = arith.constant 640 : i32
      %dma_start3A_86 = tpu.memref_slice %arg5[%dma_start3A_85] : memref<1024xi32, #tpu.memory_space<vmem>> -> memref<128xi32, #tpu.memory_space<vmem>>
      %dma_start3A_87 = arith.constant 0 : i32
      %dma_start3A_88 = arith.constant 0 : i32
      %dma_start3A_89 = tpu.memref_slice %arg2[%dma_start3A_87, %dma_start3A_88] : memref<100001x64xf32, #tpu.memory_space<hbm>> -> memref<100001x64xf32, #tpu.memory_space<hbm>>
      tpu.enqueue_indirect_dma source(%dma_start3A_89 : memref<100001x64xf32, #tpu.memory_space<hbm>>) target(%dma_start3A_84 : memref<128x64xf32, #tpu.memory_space<vmem>>) offsets(%dma_start3A_86 : memref<128xi32, #tpu.memory_space<vmem>>) semaphore(%arg7 : memref<!tpu.dma_semaphore, #tpu.memory_space<semaphore_mem>>)
      %dma_start3A_90 = arith.constant 768 : i32
      %dma_start3A_91 = arith.constant 0 : i32
      %dma_start3A_92 = tpu.memref_slice %arg6[%dma_start3A_90, %dma_start3A_91] : memref<1024x64xf32, #tpu.memory_space<vmem>> -> memref<128x64xf32, #tpu.memory_space<vmem>>
      %dma_start3A_93 = arith.constant 768 : i32
      %dma_start3A_94 = tpu.memref_slice %arg5[%dma_start3A_93] : memref<1024xi32, #tpu.memory_space<vmem>> -> memref<128xi32, #tpu.memory_space<vmem>>
      %dma_start3A_95 = arith.constant 0 : i32
      %dma_start3A_96 = arith.constant 0 : i32
      %dma_start3A_97 = tpu.memref_slice %arg2[%dma_start3A_95, %dma_start3A_96] : memref<100001x64xf32, #tpu.memory_space<hbm>> -> memref<100001x64xf32, #tpu.memory_space<hbm>>
      tpu.enqueue_indirect_dma source(%dma_start3A_97 : memref<100001x64xf32, #tpu.memory_space<hbm>>) target(%dma_start3A_92 : memref<128x64xf32, #tpu.memory_space<vmem>>) offsets(%dma_start3A_94 : memref<128xi32, #tpu.memory_space<vmem>>) semaphore(%arg7 : memref<!tpu.dma_semaphore, #tpu.memory_space<semaphore_mem>>)
      %dma_start3A_98 = arith.constant 896 : i32
      %dma_start3A_99 = arith.constant 0 : i32
      %dma_start3A_100 = tpu.memref_slice %arg6[%dma_start3A_98, %dma_start3A_99] : memref<1024x64xf32, #tpu.memory_space<vmem>> -> memref<128x64xf32, #tpu.memory_space<vmem>>
      %dma_start3A_101 = arith.constant 896 : i32
      %dma_start3A_102 = tpu.memref_slice %arg5[%dma_start3A_101] : memref<1024xi32, #tpu.memory_space<vmem>> -> memref<128xi32, #tpu.memory_space<vmem>>
      %dma_start3A_103 = arith.constant 0 : i32
      %dma_start3A_104 = arith.constant 0 : i32
      %dma_start3A_105 = tpu.memref_slice %arg2[%dma_start3A_103, %dma_start3A_104] : memref<100001x64xf32, #tpu.memory_space<hbm>> -> memref<100001x64xf32, #tpu.memory_space<hbm>>
      tpu.enqueue_indirect_dma source(%dma_start3A_105 : memref<100001x64xf32, #tpu.memory_space<hbm>>) target(%dma_start3A_100 : memref<128x64xf32, #tpu.memory_space<vmem>>) offsets(%dma_start3A_102 : memref<128xi32, #tpu.memory_space<vmem>>) semaphore(%arg7 : memref<!tpu.dma_semaphore, #tpu.memory_space<semaphore_mem>>)
      %dma_wait3A = arith.constant 0 : i32
      %dma_wait3A_106 = arith.constant 0 : i32
      %dma_wait3A_107 = tpu.memref_slice %arg6[%dma_wait3A, %dma_wait3A_106] : memref<1024x64xf32, #tpu.memory_space<vmem>> -> memref<128x64xf32, #tpu.memory_space<vmem>>
      %dma_wait3A_108 = arith.constant 0 : i32
      %dma_wait3A_109 = tpu.memref_slice %arg5[%dma_wait3A_108] : memref<1024xi32, #tpu.memory_space<vmem>> -> memref<128xi32, #tpu.memory_space<vmem>>
      %dma_wait3A_110 = arith.constant 0 : i32
      %dma_wait3A_111 = arith.constant 0 : i32
      %dma_wait3A_112 = tpu.memref_slice %arg2[%dma_wait3A_110, %dma_wait3A_111] : memref<100001x64xf32, #tpu.memory_space<hbm>> -> memref<100001x64xf32, #tpu.memory_space<hbm>>
      tpu.wait_indirect_dma semaphore(%arg7 : memref<!tpu.dma_semaphore, #tpu.memory_space<semaphore_mem>>) src(%dma_wait3A_112 : memref<100001x64xf32, #tpu.memory_space<hbm>>) dst(%dma_wait3A_107 : memref<128x64xf32, #tpu.memory_space<vmem>>)
      %dma_wait3A_113 = arith.constant 128 : i32
      %dma_wait3A_114 = arith.constant 0 : i32
      %dma_wait3A_115 = tpu.memref_slice %arg6[%dma_wait3A_113, %dma_wait3A_114] : memref<1024x64xf32, #tpu.memory_space<vmem>> -> memref<128x64xf32, #tpu.memory_space<vmem>>
      %dma_wait3A_116 = arith.constant 128 : i32
      %dma_wait3A_117 = tpu.memref_slice %arg5[%dma_wait3A_116] : memref<1024xi32, #tpu.memory_space<vmem>> -> memref<128xi32, #tpu.memory_space<vmem>>
      %dma_wait3A_118 = arith.constant 0 : i32
      %dma_wait3A_119 = arith.constant 0 : i32
      %dma_wait3A_120 = tpu.memref_slice %arg2[%dma_wait3A_118, %dma_wait3A_119] : memref<100001x64xf32, #tpu.memory_space<hbm>> -> memref<100001x64xf32, #tpu.memory_space<hbm>>
      tpu.wait_indirect_dma semaphore(%arg7 : memref<!tpu.dma_semaphore, #tpu.memory_space<semaphore_mem>>) src(%dma_wait3A_120 : memref<100001x64xf32, #tpu.memory_space<hbm>>) dst(%dma_wait3A_115 : memref<128x64xf32, #tpu.memory_space<vmem>>)
      %dma_wait3A_121 = arith.constant 256 : i32
      %dma_wait3A_122 = arith.constant 0 : i32
      %dma_wait3A_123 = tpu.memref_slice %arg6[%dma_wait3A_121, %dma_wait3A_122] : memref<1024x64xf32, #tpu.memory_space<vmem>> -> memref<128x64xf32, #tpu.memory_space<vmem>>
      %dma_wait3A_124 = arith.constant 256 : i32
      %dma_wait3A_125 = tpu.memref_slice %arg5[%dma_wait3A_124] : memref<1024xi32, #tpu.memory_space<vmem>> -> memref<128xi32, #tpu.memory_space<vmem>>
      %dma_wait3A_126 = arith.constant 0 : i32
      %dma_wait3A_127 = arith.constant 0 : i32
      %dma_wait3A_128 = tpu.memref_slice %arg2[%dma_wait3A_126, %dma_wait3A_127] : memref<100001x64xf32, #tpu.memory_space<hbm>> -> memref<100001x64xf32, #tpu.memory_space<hbm>>
      tpu.wait_indirect_dma semaphore(%arg7 : memref<!tpu.dma_semaphore, #tpu.memory_space<semaphore_mem>>) src(%dma_wait3A_128 : memref<100001x64xf32, #tpu.memory_space<hbm>>) dst(%dma_wait3A_123 : memref<128x64xf32, #tpu.memory_space<vmem>>)
      %dma_wait3A_129 = arith.constant 384 : i32
      %dma_wait3A_130 = arith.constant 0 : i32
      %dma_wait3A_131 = tpu.memref_slice %arg6[%dma_wait3A_129, %dma_wait3A_130] : memref<1024x64xf32, #tpu.memory_space<vmem>> -> memref<128x64xf32, #tpu.memory_space<vmem>>
      %dma_wait3A_132 = arith.constant 384 : i32
      %dma_wait3A_133 = tpu.memref_slice %arg5[%dma_wait3A_132] : memref<1024xi32, #tpu.memory_space<vmem>> -> memref<128xi32, #tpu.memory_space<vmem>>
      %dma_wait3A_134 = arith.constant 0 : i32
      %dma_wait3A_135 = arith.constant 0 : i32
      %dma_wait3A_136 = tpu.memref_slice %arg2[%dma_wait3A_134, %dma_wait3A_135] : memref<100001x64xf32, #tpu.memory_space<hbm>> -> memref<100001x64xf32, #tpu.memory_space<hbm>>
      tpu.wait_indirect_dma semaphore(%arg7 : memref<!tpu.dma_semaphore, #tpu.memory_space<semaphore_mem>>) src(%dma_wait3A_136 : memref<100001x64xf32, #tpu.memory_space<hbm>>) dst(%dma_wait3A_131 : memref<128x64xf32, #tpu.memory_space<vmem>>)
      %dma_wait3A_137 = arith.constant 512 : i32
      %dma_wait3A_138 = arith.constant 0 : i32
      %dma_wait3A_139 = tpu.memref_slice %arg6[%dma_wait3A_137, %dma_wait3A_138] : memref<1024x64xf32, #tpu.memory_space<vmem>> -> memref<128x64xf32, #tpu.memory_space<vmem>>
      %dma_wait3A_140 = arith.constant 512 : i32
      %dma_wait3A_141 = tpu.memref_slice %arg5[%dma_wait3A_140] : memref<1024xi32, #tpu.memory_space<vmem>> -> memref<128xi32, #tpu.memory_space<vmem>>
      %dma_wait3A_142 = arith.constant 0 : i32
      %dma_wait3A_143 = arith.constant 0 : i32
      %dma_wait3A_144 = tpu.memref_slice %arg2[%dma_wait3A_142, %dma_wait3A_143] : memref<100001x64xf32, #tpu.memory_space<hbm>> -> memref<100001x64xf32, #tpu.memory_space<hbm>>
      tpu.wait_indirect_dma semaphore(%arg7 : memref<!tpu.dma_semaphore, #tpu.memory_space<semaphore_mem>>) src(%dma_wait3A_144 : memref<100001x64xf32, #tpu.memory_space<hbm>>) dst(%dma_wait3A_139 : memref<128x64xf32, #tpu.memory_space<vmem>>)
      %dma_wait3A_145 = arith.constant 640 : i32
      %dma_wait3A_146 = arith.constant 0 : i32
      %dma_wait3A_147 = tpu.memref_slice %arg6[%dma_wait3A_145, %dma_wait3A_146] : memref<1024x64xf32, #tpu.memory_space<vmem>> -> memref<128x64xf32, #tpu.memory_space<vmem>>
      %dma_wait3A_148 = arith.constant 640 : i32
      %dma_wait3A_149 = tpu.memref_slice %arg5[%dma_wait3A_148] : memref<1024xi32, #tpu.memory_space<vmem>> -> memref<128xi32, #tpu.memory_space<vmem>>
      %dma_wait3A_150 = arith.constant 0 : i32
      %dma_wait3A_151 = arith.constant 0 : i32
      %dma_wait3A_152 = tpu.memref_slice %arg2[%dma_wait3A_150, %dma_wait3A_151] : memref<100001x64xf32, #tpu.memory_space<hbm>> -> memref<100001x64xf32, #tpu.memory_space<hbm>>
      tpu.wait_indirect_dma semaphore(%arg7 : memref<!tpu.dma_semaphore, #tpu.memory_space<semaphore_mem>>) src(%dma_wait3A_152 : memref<100001x64xf32, #tpu.memory_space<hbm>>) dst(%dma_wait3A_147 : memref<128x64xf32, #tpu.memory_space<vmem>>)
      %dma_wait3A_153 = arith.constant 768 : i32
      %dma_wait3A_154 = arith.constant 0 : i32
      %dma_wait3A_155 = tpu.memref_slice %arg6[%dma_wait3A_153, %dma_wait3A_154] : memref<1024x64xf32, #tpu.memory_space<vmem>> -> memref<128x64xf32, #tpu.memory_space<vmem>>
      %dma_wait3A_156 = arith.constant 768 : i32
      %dma_wait3A_157 = tpu.memref_slice %arg5[%dma_wait3A_156] : memref<1024xi32, #tpu.memory_space<vmem>> -> memref<128xi32, #tpu.memory_space<vmem>>
      %dma_wait3A_158 = arith.constant 0 : i32
      %dma_wait3A_159 = arith.constant 0 : i32
      %dma_wait3A_160 = tpu.memref_slice %arg2[%dma_wait3A_158, %dma_wait3A_159] : memref<100001x64xf32, #tpu.memory_space<hbm>> -> memref<100001x64xf32, #tpu.memory_space<hbm>>
      tpu.wait_indirect_dma semaphore(%arg7 : memref<!tpu.dma_semaphore, #tpu.memory_space<semaphore_mem>>) src(%dma_wait3A_160 : memref<100001x64xf32, #tpu.memory_space<hbm>>) dst(%dma_wait3A_155 : memref<128x64xf32, #tpu.memory_space<vmem>>)
      %dma_wait3A_161 = arith.constant 896 : i32
      %dma_wait3A_162 = arith.constant 0 : i32
      %dma_wait3A_163 = tpu.memref_slice %arg6[%dma_wait3A_161, %dma_wait3A_162] : memref<1024x64xf32, #tpu.memory_space<vmem>> -> memref<128x64xf32, #tpu.memory_space<vmem>>
      %dma_wait3A_164 = arith.constant 896 : i32
      %dma_wait3A_165 = tpu.memref_slice %arg5[%dma_wait3A_164] : memref<1024xi32, #tpu.memory_space<vmem>> -> memref<128xi32, #tpu.memory_space<vmem>>
      %dma_wait3A_166 = arith.constant 0 : i32
      %dma_wait3A_167 = arith.constant 0 : i32
      %dma_wait3A_168 = tpu.memref_slice %arg2[%dma_wait3A_166, %dma_wait3A_167] : memref<100001x64xf32, #tpu.memory_space<hbm>> -> memref<100001x64xf32, #tpu.memory_space<hbm>>
      tpu.wait_indirect_dma semaphore(%arg7 : memref<!tpu.dma_semaphore, #tpu.memory_space<semaphore_mem>>) src(%dma_wait3A_168 : memref<100001x64xf32, #tpu.memory_space<hbm>>) dst(%dma_wait3A_163 : memref<128x64xf32, #tpu.memory_space<vmem>>)
      %mul3A_169 = arith.constant 1024 : i32
      %mul3A_170 = arith.muli %scan3A_39, %mul3A_169 : i32
      %add3A_171 = arith.addi %select_n3A_11, %mul3A_170 : i32
      "tpu.region"() ({
        %run_scoped3A = tpu.sem_alloc : memref<!tpu.dma_semaphore, #tpu.memory_space<semaphore_mem>>
        %dma_start3A_172 = tpu.memref_slice %arg4[%add3A_171, %mul3A_34] : memref<409600x128xf32, #tpu.memory_space<hbm>> -> memref<1024x64xf32, #tpu.memory_space<hbm>>
        %dma_start3A_173 = tpu.memref_slice %arg4[%add3A_171, %mul3A_34] : memref<409600x128xf32, #tpu.memory_space<hbm>> -> memref<1024x64xf32, #tpu.memory_space<hbm>>
        tpu.enqueue_dma source(%arg6 : memref<1024x64xf32, #tpu.memory_space<vmem>>) target(%dma_start3A_173 : memref<1024x64xf32, #tpu.memory_space<hbm>>) target_semaphore(%run_scoped3A : memref<!tpu.dma_semaphore, #tpu.memory_space<semaphore_mem>>)
        %dma_wait3A_174 = tpu.memref_slice %arg4[%add3A_171, %mul3A_34] : memref<409600x128xf32, #tpu.memory_space<hbm>> -> memref<1024x64xf32, #tpu.memory_space<hbm>>
        %dma_wait3A_175 = tpu.memref_slice %arg4[%add3A_171, %mul3A_34] : memref<409600x128xf32, #tpu.memory_space<hbm>> -> memref<1024x64xf32, #tpu.memory_space<hbm>>
        tpu.wait_dma2 semaphore(%run_scoped3A : memref<!tpu.dma_semaphore, #tpu.memory_space<semaphore_mem>>) src(%arg6 : memref<1024x64xf32, #tpu.memory_space<vmem>>) dst(%dma_wait3A_175 : memref<1024x64xf32, #tpu.memory_space<hbm>>)
        tpu.yield
      }) : () -> ()
    }
    %scan3A_38 = arith.constant 25 : i32
    return
  }
}

module attributes {stable_mosaic.version = 14 : i64} {
  func.func @_tc_body(%arg0: i32, %arg1: memref<1x1x2048xf32, #tpu.memory_space<vmem>>, %arg2: memref<1x1x2048xf32, #tpu.memory_space<vmem>>, %arg3: memref<1x1x2048xf32, #tpu.memory_space<vmem>>, %arg4: memref<1x1x2048xf32, #tpu.memory_space<vmem>>, %arg5: memref<1x1x2048xf32, #tpu.memory_space<vmem>>, %arg6: memref<1x1x2048xf32, #tpu.memory_space<vmem>>, %arg7: memref<8x1xf32, #tpu.memory_space<vmem>>, %arg8: memref<8x1xf32, #tpu.memory_space<vmem>>, %arg9: memref<8x1xf32, #tpu.memory_space<vmem>>, %arg10: memref<8x1xf32, #tpu.memory_space<vmem>>, %arg11: memref<16x64xf32, #tpu.memory_space<vmem>>, %arg12: memref<2048x128xf32, #tpu.memory_space<vmem>>, %arg13: memref<2048x128xf32, #tpu.memory_space<vmem>>) attributes {dimension_semantics = [#tpu.dimension_semantics<arbitrary>], iteration_bounds = array<i64: 200>, scalar_prefetch = 0 : i64, scratch_operands = 0 : i64, tpu.core_type = #tpu.core_type<tc>, window_params = [{transform_indices = @transform_0, window_bounds = array<i64: 1, 1, 2048>}, {transform_indices = @transform_1, window_bounds = array<i64: 1, 1, 2048>}, {transform_indices = @transform_2, window_bounds = array<i64: 1, 1, 2048>}, {transform_indices = @transform_3, window_bounds = array<i64: 1, 1, 2048>}, {transform_indices = @transform_4, window_bounds = array<i64: 1, 1, 2048>}, {transform_indices = @transform_5, window_bounds = array<i64: 1, 1, 2048>}, {pipeline_mode = #tpu.pipeline_mode<synchronous>, transform_indices = @transform_6, window_bounds = array<i64: 8, 1>}, {pipeline_mode = #tpu.pipeline_mode<synchronous>, transform_indices = @transform_7, window_bounds = array<i64: 8, 1>}, {pipeline_mode = #tpu.pipeline_mode<synchronous>, transform_indices = @transform_8, window_bounds = array<i64: 8, 1>}, {pipeline_mode = #tpu.pipeline_mode<synchronous>, transform_indices = @transform_9, window_bounds = array<i64: 8, 1>}, {pipeline_mode = #tpu.pipeline_mode<synchronous>, transform_indices = @transform_10, window_bounds = array<i64: 16, 64>}, {transform_indices = @transform_11, window_bounds = array<i64: 2048, 128>}, {transform_indices = @transform_12, window_bounds = array<i64: 2048, 128>}]} {
    %get3A = arith.constant 0 : index
    %get3A_0 = arith.constant 0 : index
    %get3A_1 = vector.load %arg7[%get3A, %get3A_0] : memref<8x1xf32, #tpu.memory_space<vmem>>, vector<8x1xf32>
    %get3A_2 = arith.constant 0 : index
    %get3A_3 = arith.constant 0 : index
    %get3A_4 = vector.load %arg8[%get3A_2, %get3A_3] : memref<8x1xf32, #tpu.memory_space<vmem>>, vector<8x1xf32>
    %get3A_5 = arith.constant 0 : index
    %get3A_6 = arith.constant 0 : index
    %get3A_7 = vector.load %arg9[%get3A_5, %get3A_6] : memref<8x1xf32, #tpu.memory_space<vmem>>, vector<8x1xf32>
    %get3A_8 = arith.constant 0 : index
    %get3A_9 = arith.constant 0 : index
    %get3A_10 = vector.load %arg10[%get3A_8, %get3A_9] : memref<8x1xf32, #tpu.memory_space<vmem>>, vector<8x1xf32>
    %get3A_11 = arith.constant 0 : index
    %get3A_12 = arith.constant 0 : index
    %get3A_13 = vector.load %arg11[%get3A_11, %get3A_12] : memref<16x64xf32, #tpu.memory_space<vmem>>, vector<16x64xf32>
    %get3A_14 = arith.constant 0 : index
    %get3A_15 = arith.constant 0 : index
    %get3A_16 = vector.load %arg12[%get3A_14, %get3A_15] : memref<2048x128xf32, #tpu.memory_space<vmem>>, vector<2048x128xf32>
    %get3A_17 = arith.constant 0 : index
    %get3A_18 = arith.constant 0 : index
    %get3A_19 = arith.constant 0 : index
    %get3A_20 = vector.load %arg1[%get3A_17, %get3A_18, %get3A_19] : memref<1x1x2048xf32, #tpu.memory_space<vmem>>, vector<1x1x2048xf32>
    %get3A_21 = vector.shape_cast %get3A_20 : vector<1x1x2048xf32> to vector<1x2048xf32>
    %get3A_22 = arith.constant 0 : index
    %get3A_23 = arith.constant 0 : index
    %get3A_24 = arith.constant 0 : index
    %get3A_25 = vector.load %arg3[%get3A_22, %get3A_23, %get3A_24] : memref<1x1x2048xf32, #tpu.memory_space<vmem>>, vector<1x1x2048xf32>
    %get3A_26 = vector.shape_cast %get3A_25 : vector<1x1x2048xf32> to vector<1x2048xf32>
    %get3A_27 = arith.constant 0 : index
    %get3A_28 = arith.constant 0 : index
    %get3A_29 = arith.constant 0 : index
    %get3A_30 = vector.load %arg5[%get3A_27, %get3A_28, %get3A_29] : memref<1x1x2048xf32, #tpu.memory_space<vmem>>, vector<1x1x2048xf32>
    %get3A_31 = vector.shape_cast %get3A_30 : vector<1x1x2048xf32> to vector<1x2048xf32>
    %mul3A = vector.broadcast %get3A_21 : vector<1x2048xf32> to vector<8x2048xf32>
    %mul3A_32 = vector.broadcast %get3A_1 : vector<8x1xf32> to vector<8x2048xf32>
    %mul3A_33 = arith.mulf %mul3A, %mul3A_32 : vector<8x2048xf32>
    %add3A = vector.broadcast %get3A_4 : vector<8x1xf32> to vector<8x2048xf32>
    %add3A_34 = arith.addf %mul3A_33, %add3A : vector<8x2048xf32>
    %tanh3A = math.tanh %add3A_34 : vector<8x2048xf32>
    %mul3A_35 = vector.broadcast %get3A_26 : vector<1x2048xf32> to vector<8x2048xf32>
    %mul3A_36 = vector.broadcast %get3A_7 : vector<8x1xf32> to vector<8x2048xf32>
    %mul3A_37 = arith.mulf %mul3A_35, %mul3A_36 : vector<8x2048xf32>
    %add3A_38 = vector.broadcast %get3A_10 : vector<8x1xf32> to vector<8x2048xf32>
    %add3A_39 = arith.addf %mul3A_37, %add3A_38 : vector<8x2048xf32>
    %tanh3A_40 = math.tanh %add3A_39 : vector<8x2048xf32>
    %mul3A_41 = vector.broadcast %get3A_31 : vector<1x2048xf32> to vector<8x2048xf32>
    %mul3A_42 = arith.mulf %tanh3A_40, %mul3A_41 : vector<8x2048xf32>
    %concatenate3A = tpu.concatenate %tanh3A, %mul3A_42 in 0 : vector<8x2048xf32>, vector<8x2048xf32> -> vector<16x2048xf32>
    %dot_general3A = arith.constant dense<0.000000e+00> : vector<2048x64xf32>
    %dot_general3A_43 = tpu.matmul %concatenate3A, %get3A_13, %dot_general3A {dimension_numbers = #tpu.dot_dimension_numbers<[0], [0], [1], [1], [0, 1, 1, 1], [], []>, transpose_lhs_hint = false} : vector<16x2048xf32>, vector<16x64xf32>, vector<2048x64xf32> -> vector<2048x64xf32>
    %slice3A = vector.extract_strided_slice %get3A_16 {offsets = [0, 0], sizes = [2048, 64], strides = [1, 1]} : vector<2048x128xf32> to vector<2048x64xf32>
    %add3A_44 = arith.addf %dot_general3A_43, %slice3A : vector<2048x64xf32>
    %get3A_45 = arith.constant 0 : index
    %get3A_46 = arith.constant 0 : index
    %get3A_47 = arith.constant 0 : index
    %get3A_48 = vector.load %arg2[%get3A_45, %get3A_46, %get3A_47] : memref<1x1x2048xf32, #tpu.memory_space<vmem>>, vector<1x1x2048xf32>
    %get3A_49 = vector.shape_cast %get3A_48 : vector<1x1x2048xf32> to vector<1x2048xf32>
    %get3A_50 = arith.constant 0 : index
    %get3A_51 = arith.constant 0 : index
    %get3A_52 = arith.constant 0 : index
    %get3A_53 = vector.load %arg4[%get3A_50, %get3A_51, %get3A_52] : memref<1x1x2048xf32, #tpu.memory_space<vmem>>, vector<1x1x2048xf32>
    %get3A_54 = vector.shape_cast %get3A_53 : vector<1x1x2048xf32> to vector<1x2048xf32>
    %get3A_55 = arith.constant 0 : index
    %get3A_56 = arith.constant 0 : index
    %get3A_57 = arith.constant 0 : index
    %get3A_58 = vector.load %arg6[%get3A_55, %get3A_56, %get3A_57] : memref<1x1x2048xf32, #tpu.memory_space<vmem>>, vector<1x1x2048xf32>
    %get3A_59 = vector.shape_cast %get3A_58 : vector<1x1x2048xf32> to vector<1x2048xf32>
    %mul3A_60 = vector.broadcast %get3A_49 : vector<1x2048xf32> to vector<8x2048xf32>
    %mul3A_61 = vector.broadcast %get3A_1 : vector<8x1xf32> to vector<8x2048xf32>
    %mul3A_62 = arith.mulf %mul3A_60, %mul3A_61 : vector<8x2048xf32>
    %add3A_63 = vector.broadcast %get3A_4 : vector<8x1xf32> to vector<8x2048xf32>
    %add3A_64 = arith.addf %mul3A_62, %add3A_63 : vector<8x2048xf32>
    %tanh3A_65 = math.tanh %add3A_64 : vector<8x2048xf32>
    %mul3A_66 = vector.broadcast %get3A_54 : vector<1x2048xf32> to vector<8x2048xf32>
    %mul3A_67 = vector.broadcast %get3A_7 : vector<8x1xf32> to vector<8x2048xf32>
    %mul3A_68 = arith.mulf %mul3A_66, %mul3A_67 : vector<8x2048xf32>
    %add3A_69 = vector.broadcast %get3A_10 : vector<8x1xf32> to vector<8x2048xf32>
    %add3A_70 = arith.addf %mul3A_68, %add3A_69 : vector<8x2048xf32>
    %tanh3A_71 = math.tanh %add3A_70 : vector<8x2048xf32>
    %mul3A_72 = vector.broadcast %get3A_59 : vector<1x2048xf32> to vector<8x2048xf32>
    %mul3A_73 = arith.mulf %tanh3A_71, %mul3A_72 : vector<8x2048xf32>
    %concatenate3A_74 = tpu.concatenate %tanh3A_65, %mul3A_73 in 0 : vector<8x2048xf32>, vector<8x2048xf32> -> vector<16x2048xf32>
    %dot_general3A_75 = arith.constant dense<0.000000e+00> : vector<2048x64xf32>
    %dot_general3A_76 = tpu.matmul %concatenate3A_74, %get3A_13, %dot_general3A_75 {dimension_numbers = #tpu.dot_dimension_numbers<[0], [0], [1], [1], [0, 1, 1, 1], [], []>, transpose_lhs_hint = false} : vector<16x2048xf32>, vector<16x64xf32>, vector<2048x64xf32> -> vector<2048x64xf32>
    %slice3A_77 = vector.extract_strided_slice %get3A_16 {offsets = [0, 64], sizes = [2048, 64], strides = [1, 1]} : vector<2048x128xf32> to vector<2048x64xf32>
    %add3A_78 = arith.addf %dot_general3A_76, %slice3A_77 : vector<2048x64xf32>
    %concatenate3A_79 = tpu.concatenate %add3A_44, %add3A_78 in 1 : vector<2048x64xf32>, vector<2048x64xf32> -> vector<2048x128xf32>
    %swap3A = arith.constant 0 : index
    %swap3A_80 = arith.constant 0 : index
    %swap3A_81 = vector.load %arg13[%swap3A, %swap3A_80] : memref<2048x128xf32, #tpu.memory_space<vmem>>, vector<2048x128xf32>
    tpu.vector_store %arg13[%swap3A, %swap3A_80], %concatenate3A_79 {strides = array<i32>} : memref<2048x128xf32, #tpu.memory_space<vmem>>, vector<2048x128xf32>,
    return
  }
  func.func @transform_0(%arg0: i32) -> (i32, i32, i32) {
    %c0_i32 = arith.constant 0 : i32
    %c0_i32_0 = arith.constant 0 : i32
    %c0_i32_1 = arith.constant 0 : i32
    return %arg0, %c0_i32, %c0_i32_0 : i32, i32, i32
  }
  func.func @transform_1(%arg0: i32) -> (i32, i32, i32) {
    %add3A = arith.constant 200 : i32
    %add3A_0 = arith.addi %arg0, %add3A : i32
    %c0_i32 = arith.constant 0 : i32
    %c0_i32_1 = arith.constant 0 : i32
    %c0_i32_2 = arith.constant 0 : i32
    return %add3A_0, %c0_i32, %c0_i32_1 : i32, i32, i32
  }
  func.func @transform_2(%arg0: i32) -> (i32, i32, i32) {
    %c0_i32 = arith.constant 0 : i32
    %c0_i32_0 = arith.constant 0 : i32
    %c0_i32_1 = arith.constant 0 : i32
    return %arg0, %c0_i32, %c0_i32_0 : i32, i32, i32
  }
  func.func @transform_3(%arg0: i32) -> (i32, i32, i32) {
    %add3A = arith.constant 200 : i32
    %add3A_0 = arith.addi %arg0, %add3A : i32
    %c0_i32 = arith.constant 0 : i32
    %c0_i32_1 = arith.constant 0 : i32
    %c0_i32_2 = arith.constant 0 : i32
    return %add3A_0, %c0_i32, %c0_i32_1 : i32, i32, i32
  }
  func.func @transform_4(%arg0: i32) -> (i32, i32, i32) {
    %c0_i32 = arith.constant 0 : i32
    %c0_i32_0 = arith.constant 0 : i32
    %c0_i32_1 = arith.constant 0 : i32
    return %arg0, %c0_i32, %c0_i32_0 : i32, i32, i32
  }
  func.func @transform_5(%arg0: i32) -> (i32, i32, i32) {
    %add3A = arith.constant 200 : i32
    %add3A_0 = arith.addi %arg0, %add3A : i32
    %c0_i32 = arith.constant 0 : i32
    %c0_i32_1 = arith.constant 0 : i32
    %c0_i32_2 = arith.constant 0 : i32
    return %add3A_0, %c0_i32, %c0_i32_1 : i32, i32, i32
  }
  func.func @transform_6(%arg0: i32) -> (i32, i32) {
    %c0_i32 = arith.constant 0 : i32
    %c0_i32_0 = arith.constant 0 : i32
    %c0_i32_1 = arith.constant 0 : i32
    return %c0_i32, %c0_i32_0 : i32, i32
  }
  func.func @transform_7(%arg0: i32) -> (i32, i32) {
    %c0_i32 = arith.constant 0 : i32
    %c0_i32_0 = arith.constant 0 : i32
    %c0_i32_1 = arith.constant 0 : i32
    return %c0_i32, %c0_i32_0 : i32, i32
  }
  func.func @transform_8(%arg0: i32) -> (i32, i32) {
    %c0_i32 = arith.constant 0 : i32
    %c0_i32_0 = arith.constant 0 : i32
    %c0_i32_1 = arith.constant 0 : i32
    return %c0_i32, %c0_i32_0 : i32, i32
  }
  func.func @transform_9(%arg0: i32) -> (i32, i32) {
    %c0_i32 = arith.constant 0 : i32
    %c0_i32_0 = arith.constant 0 : i32
    %c0_i32_1 = arith.constant 0 : i32
    return %c0_i32, %c0_i32_0 : i32, i32
  }
  func.func @transform_10(%arg0: i32) -> (i32, i32) {
    %c0_i32 = arith.constant 0 : i32
    %c0_i32_0 = arith.constant 0 : i32
    %c0_i32_1 = arith.constant 0 : i32
    return %c0_i32, %c0_i32_0 : i32, i32
  }
  func.func @transform_11(%arg0: i32) -> (i32, i32) {
    %c0_i32 = arith.constant 0 : i32
    %c0_i32_0 = arith.constant 0 : i32
    return %arg0, %c0_i32 : i32, i32
  }
  func.func @transform_12(%arg0: i32) -> (i32, i32) {
    %c0_i32 = arith.constant 0 : i32
    %c0_i32_0 = arith.constant 0 : i32
    return %arg0, %c0_i32 : i32, i32
  }
}

module attributes {stable_mosaic.version = 14 : i64} {
  func.func @_mask_body(%arg0: i32, %arg1: memref<128x200xi32, #tpu.memory_space<vmem>>, %arg2: memref<128x200xf32, #tpu.memory_space<vmem>>) attributes {dimension_semantics = [#tpu.dimension_semantics<arbitrary>], iteration_bounds = array<i64: 32>, scalar_prefetch = 0 : i64, scratch_operands = 0 : i64, tpu.core_type = #tpu.core_type<tc>, window_params = [{transform_indices = @transform_0, window_bounds = array<i64: 128, 200>}, {transform_indices = @transform_1, window_bounds = array<i64: 128, 200>}]} {
    %get3A = arith.constant 0 : index
    %get3A_0 = arith.constant 0 : index
    %get3A_1 = vector.load %arg1[%get3A, %get3A_0] : memref<128x200xi32, #tpu.memory_space<vmem>>, vector<128x200xi32>
    %convert_element_type3A = arith.sitofp %get3A_1 : vector<128x200xi32> to vector<128x200xf32>
    %jit3A = arith.constant 0.000000e+00 : f32
    %jit3A_2 = arith.constant 1.000000e+00 : f32
    %max3A = vector.broadcast %jit3A : f32 to vector<128x200xf32>
    %max3A_3 = arith.maximumf %max3A, %convert_element_type3A : vector<128x200xf32>
    %min3A = vector.broadcast %jit3A_2 : f32 to vector<128x200xf32>
    %min3A_4 = arith.minimumf %min3A, %max3A_3 : vector<128x200xf32>
    %swap3A = arith.constant 0 : index
    %swap3A_5 = arith.constant 0 : index
    %swap3A_6 = vector.load %arg2[%swap3A, %swap3A_5] : memref<128x200xf32, #tpu.memory_space<vmem>>, vector<128x200xf32>
    tpu.vector_store %arg2[%swap3A, %swap3A_5], %min3A_4 {strides = array<i32>} : memref<128x200xf32, #tpu.memory_space<vmem>>, vector<128x200xf32>,
    return
  }
  func.func @transform_0(%arg0: i32) -> (i32, i32) {
    %c0_i32 = arith.constant 0 : i32
    %c0_i32_0 = arith.constant 0 : i32
    return %arg0, %c0_i32 : i32, i32
  }
  func.func @transform_1(%arg0: i32) -> (i32, i32) {
    %c0_i32 = arith.constant 0 : i32
    %c0_i32_0 = arith.constant 0 : i32
    return %arg0, %c0_i32 : i32, i32
  }
}

</mosaic_0001>

<sc_bundles>
// kernel: kernel.5.cloned.1.call-start
scs
__scs_entry_jumppad:
0x0: {  	(pc) =	sbr.rel $0x88, $3  }
0x1: {  	(tag) =	ssettag $0x0;
	lr =	simm.s32 $0x1  }
0x2: {  	[smem:$0x3F96] =	sst lr;
	_ =	strace $0xD0000000  }
0x3: {  	_ = 	snop  }
0x4: {  	_ = 	snop  }
0x5: {  	_ = 	snop  }
0x6: {  	_ = 	snop  }
0x7: {  	_ = 	snop  }
__scs_overlays_trampoline_lowered:
0x8: {  	[smem:$0x3FA5] =	sst s0  }
0x9: {  	[smem:$0x3FA6] =	sst s1  }
0xa: {  	[smem:$0x3FA7] =	sst s2  }
0xb: {  	[smem:$0x3FA8] =	sst s3  }
0xc: {  	[smem:$0x3FA9] =	sst s4  }
0xd: {  	[smem:$0x3FAA] =	sst s5  }
0xe: {  	[smem:$0x3FAB] =	sst s6  }
0xf: {  	[smem:$0x3FAC] =	sst s7  }
0x10: {  	[smem:$0x3FAD] =	sst s8  }
0x11: {  	[smem:$0x3FAE] =	sst s9;
	s0 =	simm.s32 @!p0 $0x0  }
0x12: {  	s1 =	sld [smem:$0x3F94];
	s0 =	simm.s32 @p0 $0x1  }
0x13: {  	[smem:$0x3FAF] =	sst s0;
	s0 =	simm.s32 @!p1 $0x0  }
0x14: {  	s2 =	sld [smem:$0x3F93];
	s0 =	simm.s32 @p1 $0x1  }
0x15: {  	[smem:$0x3FB0] =	sst s0;
	s0 =	simm.s32 @!p2 $0x0  }
0x16: {  	s3 =	sld [smem:$0x3FDB];
	s0 =	simm.s32 @p2 $0x1  }
0x17: {  	s4 =	simm.s32 $0x1BF5;
	[smem:$0x3FB2] =	sst s0  }
0x18: {  	s0 =	sld [smem:$0x3F95];
	_ =	swait.ge [sflag:s4], $0x0  }
0x19: {  	s7 =	sld [smem:$0x3F96]  }
0x1a: {  	s8 =	sadd.s32 $0xFFFFE003, lr  }
0x1b: {  	s9 =	sadd.s32 $0xFFFFFEF7, lr;
	s5 =	simm.s32 $0xFFFFFFFF;
	p2 =	slt.u32 s8, $0xFFFFF086  }
0x1c: {  	p1 =	slt.u32 s9, $0xF7A;
	s5 =	simm.s32 @!p2 $0x0  }
0x1d: {  	s5 =	simm.s32 @p1 $0x1;
	p0 =	seq.s32 s7, s2  }
0x1e: {  	s7 =	smul.u32 @!p0 $0xF7A, s2;
	p2 =	seq.s32 @!p0 s5, $0x0  }
0x1f: {  	s9 =	smul.u32 $0xF7A, s1;
	s8 =	simm.s32 @!p0 $0x1BF5;
	p2 =	por !p2, p0  }
0x20: {  	[sflag:s8] =	ssyncset.s32 @!p0 $0xFFFFF086;
	s6 =	sadd.s32 @!p0 s3, s7;
	s7 =	simm.s32 @!p0 $0x108  }
0x21: {  	s3 =	sadd.s32 s3, s9;
	s6 =	sadd.s32 @!p0 $0x88, s6;
	s7 =	simm.s32 @p2 $0x1082  }
0x22: {  	[simem:s7], [sflag:s8] =	dma.local @!p0 [hbm:s6], $0xF7A  }
0x23: {  	s9 =	sor.u32 $0xD0000000, s2;
	s6 =	simm.s32 $0x108;
	_ =	swait.ge @!p0 [sflag:s8], $0x0  }
0x24: {  	s3 =	sadd.s32 $0x88, s3;
	s6 =	simm.s32 @!p1 $0x1082;
	[sflag:s4] =	ssyncset.s32 $0xFFFFF086  }
0x25: {  	[simem:s6], [sflag:s4] =	dma.local [hbm:s3], $0xF7A  }
0x26: {  	[smem:$0x3F96] =	sst s1;
	(tag) =	ssettag s2;
	_ =	strace s9  }
0x27: {  	s1 =	sld [smem:$0x3FA6]  }
0x28: {  	s2 =	sld [smem:$0x3FA7]  }
0x29: {  	s4 =	sld [smem:$0x3FA9]  }
0x2a: {  	p0 =	seq.s32 s5, $0x0;
	s5 =	sld [smem:$0x3FAA]  }
0x2b: {  	s6 =	sld [smem:$0x3FAB]  }
0x2c: {  	s7 =	sld [smem:$0x3FAC]  }
0x2d: {  	s3 =	simm.s32 $0x108;
	s8 =	sld [smem:$0x3FAD]  }
0x2e: {  	s3 =	simm.s32 @!p0 $0x1082;
	s9 =	sld [smem:$0x3FAE]  }
0x2f: {  	lr =	sadd.s32 s0, s3;
	s0 =	sld [smem:$0x3FA5]  }
0x30: {  	s3 =	sld [smem:$0x3FA8]  }
0x31: {  	[smem:$0x3FB1] =	sst s10  }
0x32: {  	s10 =	sld [smem:$0x3FAF];
	_ =	sdelay $0x3  }
0x33: {  	p0 =	seq.s32 s10, $0x1;
	s10 =	sld [smem:$0x3FB1];
	_ =	sdelay $0x3  }
0x34: {  	[smem:$0x3FB1] =	sst s10  }
0x35: {  	s10 =	sld [smem:$0x3FB0];
	_ =	sdelay $0x3  }
0x36: {  	p1 =	seq.s32 s10, $0x1;
	s10 =	sld [smem:$0x3FB1];
	_ =	sdelay $0x3  }
0x37: {  	[smem:$0x3FB1] =	sst s10  }
0x38: {  	s10 =	sld [smem:$0x3FB2]  }
0x39: {  	_ = 	snop;
	(pc) =	sbr.ind lr, $3  }
0x3a: {  	_ = 	snop  }
0x3b: {  	_ = 	snop  }
0x3c: {  	p2 =	seq.s32 s10, $0x1;
	s10 =	sld [smem:$0x3FB1]  }
0x3d: {  	_ =	shalt  }
0x3e: {  	_ =	shalt  }
0x3f: {  	_ =	shalt  }
0x40: {  	_ =	shalt  }
0x41: {  	_ =	shalt  }
0x42: {  	_ =	shalt  }
0x43: {  	_ =	shalt  }
0x44: {  	_ =	shalt  }
0x45: {  	_ =	shalt  }
0x46: {  	_ =	shalt  }
0x47: {  	_ =	shalt  }
0x48: {  	_ =	shalt  }
0x49: {  	_ =	shalt  }
0x4a: {  	_ =	shalt  }
0x4b: {  	_ =	shalt  }
0x4c: {  	_ =	shalt  }
0x4d: {  	_ =	shalt  }
0x4e: {  	_ =	shalt  }
0x4f: {  	_ =	shalt  }
0x50: {  	_ =	shalt  }
0x51: {  	_ =	shalt  }
0x52: {  	_ =	shalt  }
0x53: {  	_ =	shalt  }
0x54: {  	_ =	shalt  }
0x55: {  	_ =	shalt  }
0x56: {  	_ =	shalt  }
0x57: {  	_ =	shalt  }
0x58: {  	_ =	shalt  }
0x59: {  	_ =	shalt  }
0x5a: {  	_ =	shalt  }
0x5b: {  	_ =	shalt  }
0x5c: {  	_ =	shalt  }
0x5d: {  	_ =	shalt  }
0x5e: {  	_ =	shalt  }
0x5f: {  	_ =	shalt  }
0x60: {  	_ =	shalt  }
0x61: {  	_ =	shalt  }
0x62: {  	_ =	shalt  }
0x63: {  	_ =	shalt  }
0x64: {  	_ =	shalt  }
0x65: {  	_ =	shalt  }
0x66: {  	_ =	shalt  }
0x67: {  	_ =	shalt  }
0x68: {  	_ =	shalt  }
0x69: {  	_ =	shalt  }
0x6a: {  	_ =	shalt  }
0x6b: {  	_ =	shalt  }
0x6c: {  	_ =	shalt  }
0x6d: {  	_ =	shalt  }
0x6e: {  	_ =	shalt  }
0x6f: {  	_ =	shalt  }
0x70: {  	_ =	shalt  }
0x71: {  	_ =	shalt  }
0x72: {  	_ =	shalt  }
0x73: {  	_ =	shalt  }
0x74: {  	_ =	shalt  }
0x75: {  	_ =	shalt  }
0x76: {  	_ =	shalt  }
0x77: {  	_ =	shalt  }
0x78: {  	_ =	shalt  }
0x79: {  	_ =	shalt  }
0x7a: {  	_ =	shalt  }
0x7b: {  	_ =	shalt  }
0x7c: {  	_ =	shalt  }
0x7d: {  	_ =	shalt  }
0x7e: {  	_ =	shalt  }
0x7f: {  	_ =	shalt  }
0x80: {  	_ =	shalt  }
0x81: {  	_ =	shalt  }
0x82: {  	_ =	shalt  }
0x83: {  	_ =	shalt  }
0x84: {  	_ =	shalt  }
0x85: {  	_ =	shalt  }
0x86: {  	_ =	shalt  }
0x87: {  	_ =	shalt  }
.Lfunc_end0:
.L_simem_size_0:
called_computation.2_lowered:
.L_overlay_start_0:
0x88: {  	s2 =	sld [smem:$0x3FD9]  }
0x89: {  	s3 =	sld [smem:$0x3FFE];
	_ =	sdelay $0x1  }
0x8a: {  	s1 =	srdreg.scid  }
0x8b: {  	s0 =	sand.u32 $0x1, s1  }
0x8c: {  	s14 =	sshll.u32 s0, $0xA;
	s2 =	sadd.s32 s3, s2  }
0x8d: {  	s2 =	sadd.s32 s2, s14  }
0x8e: {  	[smem:$0x3FBD] =	sst s2  }
0x8f: {  	_ = 	snop  }
0x90: {  	s2 =	sld [smem:$0x3FD0];
	_ =	sdelay $0x2  }
0x91: {  	s15 =	simm.s32 $0xA;
	s4 =	simm.s32 $0x10  }
0x92: {  	[smem:s4], [sflag:s15] =	dma.local [hbm:s2], $0x1  }
0x93: {  	_ =	swait.eq [sflag:s15], $0x1  }
0x94: {  	[sflag:s15] =	ssyncset.done $0x0  }
0x95: {  	[sflag:s15] =	ssyncadd.s32 $0xFFFFFFFF  }
0x96: {  	s16 =	sld [smem:$0x11];
	(tm) =	ssettm $0x1  }
0x97: {  	s17 =	sld [smem:$0x3FFB];
	_ =	sdelay $0x3  }
0x98: {  	_ =	strace s17  }
0x99: {  	s3 =	sld [smem:$0x3FFC];
	_ =	sdelay $0x3  }
0x9a: {  	_ =	strace s3  }
0x9b: {  	s3 =	sld [smem:$0x3FFD];
	_ =	sdelay $0x3  }
0x9c: {  	_ =	strace s3  }
0x9d: {  	_ =	strace $0x8FFFFFFF  }
0x9e: {  	s18 =	sld [smem:$0x3FDB];
	_ =	sdelay $0x1  }
0x9f: {  	s19 =	simm.s32 $_scs_section_size  }
0xa0: {  	s5 =	simm.s32 $_size__tile_overlayer_lowered;
	s6 =	simm.s32 $_tile_overlayer_lowered  }
0xa1: {  	s22 =	simm.s32 $0x1BFF;
	s21 =	sshll.u32 s6, $0x1;
	s3 =	sadd.s32 s19, s18  }
0xa2: {  	s7 =	simm.s32 $0x0;
	s20 =	sshll.u32 s5, $0x1;
	s5 =	sadd.s32 s21, s3  }
0xa3: {  	[timem:s7], [sflag:s22] =	dma.local [hbm:s5], s20  }
0xa4: {  	_ =	swait.ge [sflag:s22], s20  }
0xa5: {  	s4 =	ssub.s32 $0x0, s20;
	[sflag:s22] =	ssyncset.done $0x0  }
0xa6: {  	[sflag:s22] =	ssyncadd.s32 s4;
	_ =	sdelay $0x1  }
0xa7: {  	s23 =	simm.s32 $0x1B8B  }
0xa8: {  	_ =	swait.ge [sflag:s23], $0x1  }
0xa9: {  	[sflag:s23] =	ssyncset.done $0x0  }
0xaa: {  	s25 =	simm.s32 $0x1B8E;
	s24 =	sld [smem:$0x3FFE];
	[sflag:s23] =	ssyncadd.s32 $0xFFFFFFFF  }
0xab: {  	s26 =	simm.s32 $execute0_lowered;
	[smem:$0x3FD2] =	sst s25  }
0xac: {  	s5 =	sshll.u32 s26, $0x1;
	_ =	strace $0x80000046;
	[dreg:$0x1] =	wrdreg $0xFFFFFFFF  }
0xad: {  	s28 =	simm.s32 $_size_execute0_lowered;
	s3 =	sadd.s32 s3, s5;
	[dreg:$0x0] =	wrdreg $0x0  }
0xae: {  	s5 =	sshll.u32 s28, $0x1;
	[dreg:$0x2] =	wrdreg s3  }
0xaf: {  	[dreg:$0x3] =	wrdreg s5  }
0xb0: {  	[dreg:$0x4] =	wrdreg $0xC0  }
0xb1: {  	_ =	task [dreg:s7], $0x5FFFF  }
0xb2: {  	[dreg:$0x1] =	wrdreg $0xFFFFFFFF  }
0xb3: {  	[dreg:$0x0] =	wrdreg $0x60  }
0xb4: {  	[dreg:$0x2] =	wrdreg s24  }
0xb5: {  	[dreg:$0x3] =	wrdreg s16  }
0xb6: {  	[dreg:$0x4] =	wrdreg $0x9  }
0xb7: {  	_ =	task.clear_ibuf [dreg:s7], $0x5FFFF;
	_ =	strace $0x90000046  }
0xb8: {  	s29 =	simm.s32 $0x9;
	_ =	strace $0x80000048  }
0xb9: {  	_ =	swait.ge [sflag:s29], $0x1  }
0xba: {  	[sflag:s29] =	ssyncadd.s32 $0xFFFFFFFF  }
0xbb: {  	_ =	strace $0x90000048  }
0xbc: {  	_ =	sfence  }
0xbd: {  	s30 =	sld [smem:$0x0];
	_ =	sdelay $0x2  }
0xbe: {  	s31 =	sshll.u32 s1, $0xD;
	s1 =	sshrl.u32 s1, $0x2  }
0xbf: {  	s3 =	sand.u32 $0x4000, s31;
	s1 =	sadd.s32 s1, s30  }
0xc0: {  	s0 =	sor.u32 s3, s0;
	s1 =	sshll.u32 s1, $0x11  }
0xc1: {  	s0 =	sor.u32 s1, s0  }
0xc2: {  	s0 =	sadd.s32 $0x8F2B, s0  }
0xc3: {  	[sflag:s0] =	ssyncadd.remote.s32 $0x1  }
0xc4: {  	_ =	sfence.sel $0xFFFF  }
0xc5: {  	[dreg:$0x0] =	wrdreg $0xFFFFFFFF;
	(pc) =	sbr.abs _section_cstart, $3  }
0xc6: {  	[dreg:$0x1] =	wrdreg $0xFFFFFFFF  }
0xc7: {  	_ =	task.clear_ibuf [dreg:s7], $0x2FFFF;
	_ =	strace $0x9FFFFFFF  }
0xc8: {  	(tm) =	ssettm $0x7FFFFFFF  }
0xc9: {  	_ =	shalt  }
tec
execute0_lowered:
.L_overlay_start_1:
0x0: {  	(tag) =	ssettag $0x1  }
0x1: {  	s1 =	srdreg.scid  }
0x2: {  	s0 =	stileid.u32;
	s5 =	rddreg [dreg:$0x0]  }
0x3: {  	s2 =	rddreg [dreg:$0x1];
	s3 =	simm.s32 $0x0;
	s11 =	simm.s32 $0x2400  }
0x4: {  	s12 =	simm.s32 $0x100;
	s13 =	simm.s32 $0x4400;
	s14 =	simm.s32 $0x180  }
0x5: {  	s15 =	simm.s32 $0x6400;
	s16 =	simm.s32 $0x200;
	s17 =	simm.s32 $0x8400  }
0x6: {  	s18 =	simm.s32 $0x280;
	s19 =	simm.s32 $0xA400;
	s20 =	simm.s32 $0x300  }
0x7: {  	s21 =	simm.s32 $0xC400;
	s4 =	sand.u32 $0x1, s1;
	s28 =	sshll.u32 s0, $0x1  }
0x8: {  	s22 =	simm.s32 $0x380;
	s23 =	simm.s32 $0xE400;
	s1 =	sor.u32 s4, s28  }
0x9: {  	s24 =	simm.s32 $0x1;
	s25 =	simm.s32 $0x40;
	s6 =	smul.u32 $0x6400, s1  }
0xa: {  	s26 =	simm.s32 $0x0;
	[smem:$0x7FF] =	sst s3;
	s9 =	smul.u32 $0xC800, s0  }
0xb: {  	s30 =	sand.u32 $0x8, s0;
	_ =	strace $0x80000047;
	s7 =	sadd.s32 $0xFFF9C000, s6  }
0xc: {  	s29 =	ssub.s32 $0x2, s4;
	s10 =	smul.u32 $0x6400, s4;
	s6 =	smin.u32 s6, s7  }
0xd: {  	s4 =	sadd.s32 $0x22200, s5;
	s8 =	sshrl.u32 s29, $0x1;
	s6 =	sshll.u32 s6, $0x4  }
0xe: {  	s7 =	ssub.s32 s29, s8;
	s8 =	simm.s32 $0x2;
	s6 =	sadd.s32 s6, s5  }
0xf: {  	s5 =	smax.u32 s7, $0x1;
	s31 =	sadd.s32 s30, s6;
	s6 =	sadd.s32 s10, s9  }
0x10: {  	s9 =	simm.s32 $0x80;
	s10 =	simm.s32 $0x400;
	s7 =	sadd.s32 $0xE5800, s31  }
.LBB2_1:
0x11: {  	s28 =	sadd.s32 $0x0, s6  }
0x12: {  	s28 =	sshrl.u32 s28, $0x3  }
0x13: {  	s28 =	sadd.s32 s2, s28  }
0x14: {  	[tilespmem:s3], [sflag:$0x2] =	stream.linear.gather [hbm4b:s28+s3], $0x400, $0x38;
	[tilespmem:$0x10400] =	vst v63  }
0x15: {  	_ =	swait.ge [sflag:s8], $0x400  }
0x16: {  	[sflag:s8] =	ssyncset.done $0x0  }
0x17: {  	[sflag:s8] =	ssyncadd.s32 $0xFFFFFC00  }
0x18: {  	[tilespmem:s10], [sflag:$0x1] =	stream.indirect.gather [hbm4b:s4+s9], $0x40, s3, s9, $0xb8;
	[tilespmem:$0x10400] =	vst v63  }
0x19: {  	_ = 	snop  }
0x1a: {  	[tilespmem:s11], [sflag:$0x1] =	stream.indirect.gather [hbm4b:s4+s9], $0x40, s9, s9, $0xb8;
	[tilespmem:$0x10400] =	vst v63  }
0x1b: {  	_ = 	snop  }
0x1c: {  	[tilespmem:s13], [sflag:$0x1] =	stream.indirect.gather [hbm4b:s4+s9], $0x40, s12, s9, $0xb8;
	[tilespmem:$0x10400] =	vst v63  }
0x1d: {  	_ = 	snop  }
0x1e: {  	[tilespmem:s15], [sflag:$0x1] =	stream.indirect.gather [hbm4b:s4+s9], $0x40, s14, s9, $0xb8;
	[tilespmem:$0x10400] =	vst v63  }
0x1f: {  	_ = 	snop  }
0x20: {  	[tilespmem:s17], [sflag:$0x1] =	stream.indirect.gather [hbm4b:s4+s9], $0x40, s16, s9, $0xb8;
	[tilespmem:$0x10400] =	vst v63  }
0x21: {  	_ = 	snop  }
0x22: {  	[tilespmem:s19], [sflag:$0x1] =	stream.indirect.gather [hbm4b:s4+s9], $0x40, s18, s9, $0xb8;
	[tilespmem:$0x10400] =	vst v63  }
0x23: {  	_ = 	snop  }
0x24: {  	[tilespmem:s21], [sflag:$0x1] =	stream.indirect.gather [hbm4b:s4+s9], $0x40, s20, s9, $0xb8;
	[tilespmem:$0x10400] =	vst v63  }
0x25: {  	_ = 	snop  }
0x26: {  	[tilespmem:s23], [sflag:$0x1] =	stream.indirect.gather [hbm4b:s4+s9], $0x40, s22, s9, $0xb8;
	[tilespmem:$0x10400] =	vst v63  }
0x27: {  	_ =	swait.ge [sflag:s24], $0x2000  }
0x28: {  	[sflag:s24] =	ssyncset.done $0x0  }
0x29: {  	[sflag:s24] =	ssyncadd.s32 $0xFFFFE000  }
0x2a: {  	_ =	swait.ge [sflag:s24], $0x2000  }
0x2b: {  	[sflag:s24] =	ssyncset.done $0x0  }
0x2c: {  	[sflag:s24] =	ssyncadd.s32 $0xFFFFE000  }
0x2d: {  	_ =	swait.ge [sflag:s24], $0x2000  }
0x2e: {  	[sflag:s24] =	ssyncset.done $0x0  }
0x2f: {  	[sflag:s24] =	ssyncadd.s32 $0xFFFFE000  }
0x30: {  	_ =	swait.ge [sflag:s24], $0x2000  }
0x31: {  	[sflag:s24] =	ssyncset.done $0x0  }
0x32: {  	[sflag:s24] =	ssyncadd.s32 $0xFFFFE000  }
0x33: {  	_ =	swait.ge [sflag:s24], $0x2000  }
0x34: {  	[sflag:s24] =	ssyncset.done $0x0  }
0x35: {  	[sflag:s24] =	ssyncadd.s32 $0xFFFFE000  }
0x36: {  	_ =	swait.ge [sflag:s24], $0x2000  }
0x37: {  	[sflag:s24] =	ssyncset.done $0x0  }
0x38: {  	[sflag:s24] =	ssyncadd.s32 $0xFFFFE000  }
0x39: {  	_ =	swait.ge [sflag:s24], $0x2000  }
0x3a: {  	[sflag:s24] =	ssyncset.done $0x0  }
0x3b: {  	[sflag:s24] =	ssyncadd.s32 $0xFFFFE000  }
0x3c: {  	_ =	swait.ge [sflag:s24], $0x2000  }
0x3d: {  	[sflag:s24] =	ssyncset.done $0x0  }
0x3e: {  	[sflag:s24] =	ssyncadd.s32 $0xFFFFE000  }
0x3f: {  	[hbm4b:s7+s25] =	stream.strided.scatter [tilespmem:s10], [sflag:$0x2], $0x10000, s9, s25, $0x38;
	[tilespmem:$0x10400] =	vst v63  }
0x40: {  	s31 =	simm.s32 $0x800;
	s28 =	sadd.s32 $0x400, s6;
	_ =	swait.ge [sflag:s8], $0x10000  }
0x41: {  	s30 =	sshrl.u32 s28, $0x3;
	s28 =	sadd.s32 $0x4000, s7;
	[sflag:s8] =	ssyncset.done $0x0  }
.LBB2_2:
0x42: {  	s1 =	sadd.s32 s2, s30  }
0x43: {  	[sflag:s8] =	ssyncadd.s32 $0xFFFF0000;
	s30 =	smov.u32 s31;
	s29 =	sadd.s32 $0x400, s31  }
0x44: {  	[tilespmem:s3], [sflag:$0x2] =	stream.linear.gather [hbm4b:s1+s3], $0x400, $0x38;
	[tilespmem:$0x10400] =	vst v63  }
0x45: {  	p0 =	sne.s32 s31, $0x6000;
	_ =	swait.ge [sflag:s8], $0x400  }
0x46: {  	[sflag:s8] =	ssyncset.done $0x0  }
0x47: {  	[sflag:s8] =	ssyncadd.s32 $0xFFFFFC00  }
0x48: {  	[tilespmem:s10], [sflag:$0x1] =	stream.indirect.gather [hbm4b:s4+s9], $0x40, s3, s9, $0xb8;
	[tilespmem:$0x10400] =	vst v63  }
0x49: {  	_ = 	snop  }
0x4a: {  	[tilespmem:s11], [sflag:$0x1] =	stream.indirect.gather [hbm4b:s4+s9], $0x40, s9, s9, $0xb8;
	[tilespmem:$0x10400] =	vst v63  }
0x4b: {  	_ = 	snop  }
0x4c: {  	[tilespmem:s13], [sflag:$0x1] =	stream.indirect.gather [hbm4b:s4+s9], $0x40, s12, s9, $0xb8;
	[tilespmem:$0x10400] =	vst v63  }
0x4d: {  	_ = 	snop  }
0x4e: {  	[tilespmem:s15], [sflag:$0x1] =	stream.indirect.gather [hbm4b:s4+s9], $0x40, s14, s9, $0xb8;
	[tilespmem:$0x10400] =	vst v63  }
0x4f: {  	_ = 	snop  }
0x50: {  	[tilespmem:s17], [sflag:$0x1] =	stream.indirect.gather [hbm4b:s4+s9], $0x40, s16, s9, $0xb8;
	[tilespmem:$0x10400] =	vst v63  }
0x51: {  	_ = 	snop  }
0x52: {  	[tilespmem:s19], [sflag:$0x1] =	stream.indirect.gather [hbm4b:s4+s9], $0x40, s18, s9, $0xb8;
	[tilespmem:$0x10400] =	vst v63  }
0x53: {  	_ = 	snop  }
0x54: {  	[tilespmem:s21], [sflag:$0x1] =	stream.indirect.gather [hbm4b:s4+s9], $0x40, s20, s9, $0xb8;
	[tilespmem:$0x10400] =	vst v63  }
0x55: {  	_ = 	snop  }
0x56: {  	[tilespmem:s23], [sflag:$0x1] =	stream.indirect.gather [hbm4b:s4+s9], $0x40, s22, s9, $0xb8;
	[tilespmem:$0x10400] =	vst v63  }
0x57: {  	_ =	swait.ge [sflag:s24], $0x2000  }
0x58: {  	[sflag:s24] =	ssyncset.done $0x0  }
0x59: {  	[sflag:s24] =	ssyncadd.s32 $0xFFFFE000  }
0x5a: {  	_ =	swait.ge [sflag:s24], $0x2000  }
0x5b: {  	[sflag:s24] =	ssyncset.done $0x0  }
0x5c: {  	[sflag:s24] =	ssyncadd.s32 $0xFFFFE000  }
0x5d: {  	_ =	swait.ge [sflag:s24], $0x2000  }
0x5e: {  	[sflag:s24] =	ssyncset.done $0x0  }
0x5f: {  	[sflag:s24] =	ssyncadd.s32 $0xFFFFE000  }
0x60: {  	_ =	swait.ge [sflag:s24], $0x2000  }
0x61: {  	[sflag:s24] =	ssyncset.done $0x0  }
0x62: {  	[sflag:s24] =	ssyncadd.s32 $0xFFFFE000  }
0x63: {  	_ =	swait.ge [sflag:s24], $0x2000  }
0x64: {  	[sflag:s24] =	ssyncset.done $0x0  }
0x65: {  	[sflag:s24] =	ssyncadd.s32 $0xFFFFE000  }
0x66: {  	_ =	swait.ge [sflag:s24], $0x2000  }
0x67: {  	[sflag:s24] =	ssyncset.done $0x0  }
0x68: {  	[sflag:s24] =	ssyncadd.s32 $0xFFFFE000  }
0x69: {  	_ =	swait.ge [sflag:s24], $0x2000  }
0x6a: {  	[sflag:s24] =	ssyncset.done $0x0  }
0x6b: {  	[sflag:s24] =	ssyncadd.s32 $0xFFFFE000  }
0x6c: {  	_ =	swait.ge [sflag:s24], $0x2000  }
.Ltmp0:
0x6d: {  	[sflag:s24] =	ssyncset.done $0x0;
	(pc) =	sbr.rel @p0 .LBB2_2-.Ltmp0, $4  }
0x6e: {  	[sflag:s24] =	ssyncadd.s32 $0xFFFFE000  }
0x6f: {  	[hbm4b:s28+s25] =	stream.strided.scatter [tilespmem:s10], [sflag:$0x2], $0x10000, s9, s25, $0x38;
	[tilespmem:$0x10400] =	vst v63  }
0x70: {  	s1 =	sadd.s32 s30, s6;
	s31 =	smov.u32 s29;
	_ =	swait.ge [sflag:s8], $0x10000  }
0x71: {  	s30 =	sshrl.u32 s1, $0x3;
	s28 =	sadd.s32 $0x4000, s28;
	[sflag:s8] =	ssyncset.done $0x0  }
0x72: {  	s1 =	sadd.s32 s2, s30;
	[sflag:s8] =	ssyncadd.s32 $0xFFFF0000  }
0x73: {  	[tilespmem:s3], [sflag:$0x2] =	stream.linear.gather [hbm4b:s1+s3], $0x400, $0x38;
	[tilespmem:$0x10400] =	vst v63  }
0x74: {  	_ =	swait.ge [sflag:s8], $0x400  }
0x75: {  	[sflag:s8] =	ssyncset.done $0x0  }
0x76: {  	[sflag:s8] =	ssyncadd.s32 $0xFFFFFC00  }
0x77: {  	[tilespmem:s10], [sflag:$0x1] =	stream.indirect.gather [hbm4b:s4+s9], $0x40, s3, s9, $0xb8;
	[tilespmem:$0x10400] =	vst v63  }
0x78: {  	_ = 	snop  }
0x79: {  	[tilespmem:s11], [sflag:$0x1] =	stream.indirect.gather [hbm4b:s4+s9], $0x40, s9, s9, $0xb8;
	[tilespmem:$0x10400] =	vst v63  }
0x7a: {  	_ = 	snop  }
0x7b: {  	[tilespmem:s13], [sflag:$0x1] =	stream.indirect.gather [hbm4b:s4+s9], $0x40, s12, s9, $0xb8;
	[tilespmem:$0x10400] =	vst v63  }
0x7c: {  	_ = 	snop  }
0x7d: {  	[tilespmem:s15], [sflag:$0x1] =	stream.indirect.gather [hbm4b:s4+s9], $0x40, s14, s9, $0xb8;
	[tilespmem:$0x10400] =	vst v63  }
0x7e: {  	_ = 	snop  }
0x7f: {  	[tilespmem:s17], [sflag:$0x1] =	stream.indirect.gather [hbm4b:s4+s9], $0x40, s16, s9, $0xb8;
	[tilespmem:$0x10400] =	vst v63  }
0x80: {  	_ = 	snop  }
0x81: {  	[tilespmem:s19], [sflag:$0x1] =	stream.indirect.gather [hbm4b:s4+s9], $0x40, s18, s9, $0xb8;
	[tilespmem:$0x10400] =	vst v63  }
0x82: {  	_ = 	snop  }
0x83: {  	[tilespmem:s21], [sflag:$0x1] =	stream.indirect.gather [hbm4b:s4+s9], $0x40, s20, s9, $0xb8;
	[tilespmem:$0x10400] =	vst v63  }
0x84: {  	_ = 	snop  }
0x85: {  	[tilespmem:s23], [sflag:$0x1] =	stream.indirect.gather [hbm4b:s4+s9], $0x40, s22, s9, $0xb8;
	[tilespmem:$0x10400] =	vst v63  }
0x86: {  	_ =	swait.ge [sflag:s24], $0x2000  }
0x87: {  	[sflag:s24] =	ssyncset.done $0x0  }
0x88: {  	[sflag:s24] =	ssyncadd.s32 $0xFFFFE000  }
0x89: {  	_ =	swait.ge [sflag:s24], $0x2000  }
0x8a: {  	[sflag:s24] =	ssyncset.done $0x0  }
0x8b: {  	[sflag:s24] =	ssyncadd.s32 $0xFFFFE000  }
0x8c: {  	_ =	swait.ge [sflag:s24], $0x2000  }
0x8d: {  	[sflag:s24] =	ssyncset.done $0x0  }
0x8e: {  	[sflag:s24] =	ssyncadd.s32 $0xFFFFE000  }
0x8f: {  	_ =	swait.ge [sflag:s24], $0x2000  }
0x90: {  	[sflag:s24] =	ssyncset.done $0x0  }
0x91: {  	[sflag:s24] =	ssyncadd.s32 $0xFFFFE000  }
0x92: {  	_ =	swait.ge [sflag:s24], $0x2000  }
0x93: {  	[sflag:s24] =	ssyncset.done $0x0  }
0x94: {  	[sflag:s24] =	ssyncadd.s32 $0xFFFFE000  }
0x95: {  	_ =	swait.ge [sflag:s24], $0x2000  }
0x96: {  	[sflag:s24] =	ssyncset.done $0x0  }
0x97: {  	[sflag:s24] =	ssyncadd.s32 $0xFFFFE000  }
0x98: {  	_ =	swait.ge [sflag:s24], $0x2000  }
0x99: {  	[sflag:s24] =	ssyncset.done $0x0  }
0x9a: {  	[sflag:s24] =	ssyncadd.s32 $0xFFFFE000  }
0x9b: {  	s26 =	sadd.s32 $0x1, s26;
	_ =	swait.ge [sflag:s24], $0x2000  }
0x9c: {  	p0 =	sne.s32 s26, s5;
	[sflag:s24] =	ssyncset.done $0x0  }
.Ltmp1:
0x9d: {  	[sflag:s24] =	ssyncadd.s32 $0xFFFFE000;
	(pc) =	sbr.rel @p0 .LBB2_1-.Ltmp1, $4  }
0x9e: {  	[hbm4b:s28+s25] =	stream.strided.scatter [tilespmem:s10], [sflag:$0x2], $0x10000, s9, s25, $0x38;
	[tilespmem:$0x10400] =	vst v63  }
0x9f: {  	_ =	swait.ge [sflag:s8], $0x10000  }
0xa0: {  	[sflag:s8] =	ssyncset.done $0x0  }
0xa1: {  	[sflag:s8] =	ssyncadd.s32 $0xFFFF0000  }
0xa2: {  	_ =	sfence.sel $0x180000  }
0xa3: {  	[bflag:$0x0] =	sbarrier.arrive $0xFFFF  }
0xa4: {  	_ =	strace $0x90000047  }
0xa5: {  	[bflag:$0x2] =	sbarrier.arrive $0xFFFF  }
0xa6: {  	p0 =	sne.s32 s0, $0x0;
	s0 =	rddreg [dreg:$0x2]  }
0xa7: {  	s0 =	sadd.s32 @!p0 $0x100000, s0  }
0xa8: {  	[sflag:s0] =	ssyncadd.tile.s32 @!p0 $0x1;
	_ =	shalt  }
.Lfunc_end2:
_tile_overlayer_lowered:
.L_overlay_start_2:
0xa9: {  	(tag) =	ssettag $0x2  }
0xaa: {  	s0 =	rddreg [dreg:$0x0];
	s2 =	stileid.u32  }
0xab: {  	s1 =	rddreg [dreg:$0x1];
	p0 =	sne.s32 s2, $0x0  }
0xac: {  	s3 =	rddreg [dreg:$0x2];
	[bflag:$0x3] =	sbarrier.arrive $0xFFFF;
	s2 =	simm.s32 @!p0 $0x1C02  }
0xad: {  	[timem:s3], [sflag:s2] =	dma.local @!p0 [hbm:s0], s1  }
0xae: {  	s0 =	simm.s32 @!p0 $0x2  }
0xaf: {  	_ =	swait.ge @!p0 [sflag:s0], s1  }
0xb0: {  	s1 =	ssub.s32 @!p0 $0x0, s1;
	[sflag:s0] =	ssyncset.done @!p0 $0x0  }
0xb1: {  	[sflag:s0] =	ssyncadd.s32 @!p0 s1  }
0xb2: {  	[bflag:$0x3] =	sbarrier.arrive $0xFFFF  }
0xb3: {  	_ =	shalt  }

// kernel: sparse-core-data-format-call.1.cloned.1.call-start
scs
called_computation.1_lowered:
.L_overlay_start_0:
0x0: {  	s2 =	sld [smem:$0x3FD9]  }
0x1: {  	s3 =	sld [smem:$0x3FFE];
	_ =	sdelay $0x1  }
0x2: {  	s1 =	srdreg.scid  }
0x3: {  	s0 =	sand.u32 $0x1, s1  }
0x4: {  	s15 =	sshll.u32 s0, $0xA;
	s2 =	sadd.s32 s3, s2  }
0x5: {  	s2 =	sadd.s32 s2, s15  }
0x6: {  	[smem:$0x3FBD] =	sst s2  }
0x7: {  	_ = 	snop  }
0x8: {  	s2 =	sld [smem:$0x3FD0];
	_ =	sdelay $0x2  }
0x9: {  	s16 =	simm.s32 $0xA;
	s4 =	simm.s32 $0x10  }
0xa: {  	[smem:s4], [sflag:s16] =	dma.local [hbm:s2], $0x1  }
0xb: {  	_ =	swait.eq [sflag:s16], $0x1  }
0xc: {  	[sflag:s16] =	ssyncset.done $0x0  }
0xd: {  	[sflag:s16] =	ssyncadd.s32 $0xFFFFFFFF  }
0xe: {  	s17 =	sld [smem:$0x10];
	(tm) =	ssettm $0x1  }
0xf: {  	s18 =	sld [smem:$0x3FFB];
	_ =	sdelay $0x3  }
0x10: {  	_ =	strace s18  }
0x11: {  	s3 =	sld [smem:$0x3FFC];
	_ =	sdelay $0x3  }
0x12: {  	_ =	strace s3  }
0x13: {  	s3 =	sld [smem:$0x3FFD];
	_ =	sdelay $0x3  }
0x14: {  	_ =	strace s3  }
0x15: {  	_ =	strace $0x8FFFFFFF  }
0x16: {  	s19 =	sld [smem:$0x3FDB];
	_ =	sdelay $0x1  }
0x17: {  	s20 =	simm.s32 $_scs_section_size  }
0x18: {  	s5 =	simm.s32 $_size__tile_overlayer_lowered;
	s6 =	simm.s32 $_tile_overlayer_lowered  }
0x19: {  	s23 =	simm.s32 $0x1BFF;
	s22 =	sshll.u32 s6, $0x1;
	s3 =	sadd.s32 s20, s19  }
0x1a: {  	s7 =	simm.s32 $0x0;
	s21 =	sshll.u32 s5, $0x1;
	s5 =	sadd.s32 s22, s3  }
0x1b: {  	[timem:s7], [sflag:s23] =	dma.local [hbm:s5], s21  }
0x1c: {  	_ =	swait.ge [sflag:s23], s21  }
0x1d: {  	s4 =	ssub.s32 $0x0, s21;
	[sflag:s23] =	ssyncset.done $0x0  }
0x1e: {  	[sflag:s23] =	ssyncadd.s32 s4;
	_ =	sdelay $0x1  }
0x1f: {  	s24 =	simm.s32 $0x1B8B  }
0x20: {  	_ =	swait.ge [sflag:s24], $0x1  }
0x21: {  	[sflag:s24] =	ssyncset.done $0x0  }
0x22: {  	s26 =	simm.s32 $0x1B8E;
	s25 =	sld [smem:$0x3FFE];
	[sflag:s24] =	ssyncadd.s32 $0xFFFFFFFF  }
0x23: {  	s27 =	simm.s32 $execute0_lowered;
	[smem:$0x3FD2] =	sst s26  }
0x24: {  	s5 =	sshll.u32 s27, $0x1;
	_ =	strace $0x80000049;
	[dreg:$0x1] =	wrdreg $0xFFFFFFFF  }
0x25: {  	s28 =	simm.s32 $_size_execute0_lowered;
	s3 =	sadd.s32 s3, s5;
	[dreg:$0x0] =	wrdreg $0x0  }
0x26: {  	s5 =	sshll.u32 s28, $0x1;
	[dreg:$0x2] =	wrdreg s3  }
0x27: {  	[dreg:$0x3] =	wrdreg s5  }
0x28: {  	[dreg:$0x4] =	wrdreg $0xC0  }
0x29: {  	_ =	task [dreg:s7], $0x5FFFF  }
0x2a: {  	[dreg:$0x1] =	wrdreg $0xFFFFFFFF  }
0x2b: {  	[dreg:$0x0] =	wrdreg $0x60  }
0x2c: {  	[dreg:$0x2] =	wrdreg s25  }
0x2d: {  	[dreg:$0x3] =	wrdreg s17  }
0x2e: {  	[dreg:$0x4] =	wrdreg $0x9  }
0x2f: {  	_ =	task.clear_ibuf [dreg:s7], $0x5FFFF;
	_ =	strace $0x90000049  }
0x30: {  	s29 =	simm.s32 $0x9;
	_ =	strace $0x8000004B  }
0x31: {  	_ =	swait.ge [sflag:s29], $0x1  }
0x32: {  	[sflag:s29] =	ssyncadd.s32 $0xFFFFFFFF  }
0x33: {  	_ =	strace $0x9000004B  }
0x34: {  	_ =	sfence  }
0x35: {  	s30 =	sld [smem:$0x0];
	_ =	sdelay $0x2  }
0x36: {  	s31 =	sshll.u32 s1, $0xD;
	s1 =	sshrl.u32 s1, $0x2  }
0x37: {  	s3 =	sand.u32 $0x4000, s31;
	s1 =	sadd.s32 s1, s30  }
0x38: {  	s0 =	sor.u32 s3, s0;
	s1 =	sshll.u32 s1, $0x11  }
0x39: {  	s0 =	sor.u32 s1, s0  }
0x3a: {  	s0 =	sadd.s32 $0x8F2B, s0  }
0x3b: {  	[sflag:s0] =	ssyncadd.remote.s32 $0x1  }
0x3c: {  	_ =	sfence.sel $0xFFFF  }
0x3d: {  	[dreg:$0x0] =	wrdreg $0xFFFFFFFF;
	(pc) =	sbr.abs _section_cstart, $3  }
0x3e: {  	[dreg:$0x1] =	wrdreg $0xFFFFFFFF  }
0x3f: {  	_ =	task.clear_ibuf [dreg:s7], $0x2FFFF;
	_ =	strace $0x9FFFFFFF  }
0x40: {  	(tm) =	ssettm $0x7FFFFFFF  }
0x41: {  	_ =	shalt  }
tec
execute0_lowered:
.L_overlay_start_1:
0x0: {  	(tag) =	ssettag $0x1  }
0x1: {  	s0 =	stileid.u32  }
0x2: {  	s1 =	srdreg.scid;
	s7 =	rddreg [dreg:$0x0]  }
0x3: {  	s31 =	simm.s32 $0x2;
	s15 =	simm.s32 $0x0;
	s14 =	simm.s32 $0x0  }
0x4: {  	s16 =	simm.s32 $0x0;
	s12 =	simm.s32 $0x0;
	s13 =	simm.s32 $0x0  }
0x5: {  	s2 =	sshll.u32 s0, $0x3;
	s3 =	sshll.u32 s0, $0x7;
	s4 =	sshll.u32 s1, $0xB  }
0x6: {  	s7 =	sadd.s32 $0x22200, s7;
	s1 =	sand.u32 $0x38, s2;
	s29 =	sor.u32 s3, s4  }
0x7: {  	s3 =	rddreg [dreg:$0x1];
	s2 =	sand.u32 $0xC00, s29;
	s30 =	ssub.s32 $0x40, s1  }
0x8: {  	s5 =	sand.u32 $0x38, s30;
	s6 =	ssub.s32 $0x64000, s2;
	s9 =	sshrl.u32 s30, $0x6  }
0x9: {  	p0 =	sne.s32 s5, $0x0;
	s5 =	simm.s32 $0x1;
	s8 =	sand.u32 $0xC00, s6  }
0xa: {  	s5 =	simm.s32 @!p0 $0x0;
	p0 =	sne.s32 s8, $0x0;
	s8 =	simm.s32 $0x1  }
.Ltmp0:
0xb: {  	s6 =	sshrl.u32 s6, $0xC;
	s8 =	simm.s32 @!p0 $0x0;
	(pc) =	sbr.rel .LBB1_1-.Ltmp0, $4  }
0xc: {  	s4 =	rddreg [dreg:$0x2];
	s9 =	sadd.s32 s5, s9;
	s6 =	sadd.s32 s8, s6  }
0xd: {  	_ =	strace $0x8000004A;
	s5 =	simm.s32 $0x1;
	s6 =	smul.u32 s9, s6  }
0xe: {  	s11 =	smov.u32 s1;
	s10 =	smov.u32 s2;
	[sflag:s5] =	ssyncpa.u1 $0x0  }
0xf: {  	[sflag:s31] =	ssyncpa.u1 $0x0;
	s9 =	simm.s32 $0xC8000;
	s8 =	sadd.s32 $0x1, s6  }
.LBB1_9:
0x10: {  	s17 =	sadd.s32 $0x1000, s10  }
0x11: {  	s14 =	sadd.s32 $0x40, s11;
	s18 =	smov.u32 s11;
	p1 =	sgt.s32 s17, $0x63FFF  }
0x12: {  	s18 =	smov.u32 @p1 s14  }
0x13: {  	s20 =	smov.u32 s12;
	s14 =	sadd.s32 $0x2, s12;
	p2 =	sgt.s32 s18, $0x3F  }
0x14: {  	s20 =	smov.u32 @p2 s14  }
0x15: {  	s17 =	smov.u32 @p1 s2;
	p1 =	sgt.s32 s20, $0x1  }
0x16: {  	p0 =	slt.u32 s13, $0x2;
	s20 =	simm.s32 @p1 $0x0;
	p1 =	sne.s32 s13, s8  }
.Ltmp1:
0x17: {  	s19 =	simm.s32 @!p0 $0x2;
	(pc) =	sbr.rel @!p1 .LBB1_10-.Ltmp1, $4  }
0x18: {  	s15 =	smov.u32 s10;
	_ =	swait.ge @!p0 [sflag:s19], $0x4000  }
0x19: {  	s16 =	smov.u32 s12;
	[sflag:s19] =	ssyncset.done @!p0 $0x0;
	s10 =	smov.u32 s17  }
0x1a: {  	s18 =	smov.u32 @p2 s1;
	s14 =	smov.u32 s11;
	[sflag:s19] =	ssyncadd.s32 @!p0 $0xFFFFC000  }
0x1b: {  	s11 =	smov.u32 s18;
	s13 =	sadd.s32 $0x1, s13;
	s12 =	smov.u32 s20  }
.LBB1_1:
0x1c: {  	p0 =	sge.u32 s13, s6  }
0x1d: {  	s17 =	sshrl.u32 @!p0 s11, $0x3  }
0x1e: {  	s18 =	sshll.u32 @!p0 s10, $0x3;
	s19 =	sshll.u32 @!p0 s11, $0x7;
	s17 =	smul.u32 @!p0 $0x320000, s17  }
0x1f: {  	s20 =	sand.u32 @!p0 $0x7F, s10;
	s18 =	sand.u32 @!p0 $0xFFFFFC00, s18;
	s19 =	sand.u32 @!p0 $0x380, s19  }
0x20: {  	s17 =	sadd.s32 @!p0 s17, s18;
	s18 =	sor.u32 @!p0 s20, s19  }
0x21: {  	s18 =	sor.u32 @!p0 s17, s18  }
0x22: {  	s19 =	smulhi.u32 @!p0 $0x51EB851F, s18  }
0x23: {  	s17 =	smulhi.u32 @!p0 $0x51EB851F, s17  }
0x24: {  	s19 =	sshrl.u32 @!p0 s19, $0x11  }
0x25: {  	s31 =	sadd.s32 $0xFFFFFFFF, s13;
	s17 =	sshrl.u32 @!p0 s17, $0x11;
	s19 =	smul.u32 @!p0 $0x64000, s19  }
0x26: {  	s21 =	smul.u32 @!p0 $0x320000, s12;
	s20 =	sxor.u32 @!p0 $0xFFFFFFFF, s13;
	s17 =	sand.u32 @!p0 $0x3F, s17  }
0x27: {  	s20 =	sshll.u32 @!p0 s20, $0xE;
	s17 =	smul.u32 @!p0 $0xC800, s17;
	s18 =	ssub.s32 @!p0 s18, s19  }
0x28: {  	s19 =	sand.u32 @!p0 $0x4000, s20;
	s20 =	sadd.s32 @!p0 s7, s21;
	s21 =	sand.u32 @!p0 $0x7, s18  }
0x29: {  	s18 =	sshrl.u32 @!p0 s18, $0x3;
	s17 =	sadd.s32 @!p0 s17, s20;
	s20 =	sshll.u32 @!p0 s21, $0x12  }
0x2a: {  	s17 =	sadd.s32 @!p0 s18, s17;
	s18 =	sor.u32 @!p0 $0x2000, s20;
	s20 =	simm.s32 @!p0 $0x1900000  }
0x2b: {  	[tilespmem:s19], [sflag:$0x1] =	stream.strided.gather @!p0 [hbm4b:s17+s18], $0x4000, s20, s18, $0x38;
	[tilespmem:$0x10000] =	vst v63  }
0x2c: {  	p0 =	sge.u32 s31, s6  }
.Ltmp2:
0x2d: {  	_ = 	snop;
	(pc) =	sbr.rel @p0 .LBB1_9-.Ltmp2, $1  }
0x2e: {  	_ =	sdelay $0x3  }
0x2f: {  	_ =	swait.ge [sflag:s5], $0x4000;
	s17 =	sshll.u32 s13, $0xE  }
0x30: {  	s19 =	simm.s32 $0x0;
	[sflag:s5] =	ssyncset.done $0x0;
	s18 =	sand.u32 $0x4000, s17  }
0x31: {  	p1 =	por $0x1, $0x1;
	[sflag:s5] =	ssyncadd.s32 $0xFFFFC000;
	s17 =	sor.u32 $0x8000, s18  }
.LBB1_3:
0x32: {  	s20 =	sshll.u32 s19, $0x7  }
0x33: {  	s21 =	sshll.u32 s19, $0xD;
	p0 =	por p1, p1;
	s20 =	sand.u32 $0x3FFFFF80, s20  }
0x34: {  	s19 =	sadd.s32 s21, s18;
	v0 =	vmov s21;
	s21 =	simm.s32 $0x0;
	s20 =	sadd.s32 s20, s17  }
.LBB1_4:
0x35: {  	s24 =	sshll.u32 s21, $0xB;
	s25 =	sshll.u32 s21, $0x7  }
0x36: {  	s26 =	sadd.s32 s24, s20;
	v1 =	vmov s25  }
0x37: {  	s23 =	simm.s32 $0x0;
	p1 =	por $0x1, $0x1;
	s22 =	sadd.s32 s25, s18;
	v3 =	vmov s24;
	v2 =	vmov s26  }
.LBB1_5:
0x38: {  	s24 =	sshll.u32 s23, $0x3  }
0x39: {  	s24 =	sand.u32 $0x3FFFFFF8, s24  }
0x3a: {  	s25 =	sadd.s32 s24, s19  }
0x3b: {  	s24 =	sadd.s32 s24, s22;
	v4 =	vld.idx.msk [tilespmem:v1+s25+$0x0 ss:$0x1], $0xffff  }
0x3c: {  	v5 =	vld.idx.msk [tilespmem:v0+s24+$0x10 ss:$0x1], $0xffff  }
0x3d: {  	v6 =	vld.idx.msk [tilespmem:v0+s24+$0x20 ss:$0x1], $0xffff  }
0x3e: {  	s31 =	sshll.u32 s23, $0x1;
	v7 =	vld.idx.msk [tilespmem:v0+s24+$0x30 ss:$0x1], $0xffff  }
0x3f: {  	s23 =	sand.u32 $0x3FFFFFFE, s31;
	v8 =	vld.idx.msk [tilespmem:v0+s24+$0x40 ss:$0x1], $0xffff  }
0x40: {  	[tilespmem:v2+s23+$0x0 ss:$0x1] =	vst.idx.msk $0xffff, v4;
	s23 =	sadd.s32 s23, s20;
	v4 =	vld.idx.msk [tilespmem:v0+s24+$0x50 ss:$0x1], $0xffff  }
0x41: {  	[tilespmem:v3+s23+$0x10 ss:$0x1] =	vst.idx.msk $0xffff, v5;
	v5 =	vld.idx.msk [tilespmem:v0+s24+$0x60 ss:$0x1], $0xffff  }
0x42: {  	v49 =	vld.idx.msk [tilespmem:v0+s24+$0x70 ss:$0x1], $0xffff;
	[tilespmem:v3+s23+$0x20 ss:$0x1] =	vst.idx.msk $0xffff, v6  }
0x43: {  	v50 =	vld.idx.msk [tilespmem:v1+s25+$0x400 ss:$0x1], $0xffff;
	[tilespmem:v3+s23+$0x30 ss:$0x1] =	vst.idx.msk $0xffff, v7  }
0x44: {  	v51 =	vld.idx.msk [tilespmem:v0+s24+$0x410 ss:$0x1], $0xffff;
	[tilespmem:v3+s23+$0x40 ss:$0x1] =	vst.idx.msk $0xffff, v8  }
0x45: {  	[tilespmem:v3+s23+$0x50 ss:$0x1] =	vst.idx.msk $0xffff, v4;
	v4 =	vld.idx.msk [tilespmem:v0+s24+$0x420 ss:$0x1], $0xffff  }
0x46: {  	[tilespmem:v3+s23+$0x60 ss:$0x1] =	vst.idx.msk $0xffff, v5;
	v5 =	vld.idx.msk [tilespmem:v0+s24+$0x430 ss:$0x1], $0xffff  }
0x47: {  	v52 =	vld.idx.msk [tilespmem:v0+s24+$0x440 ss:$0x1], $0xffff;
	[tilespmem:v3+s23+$0x70 ss:$0x1] =	vst.idx.msk $0xffff, v49  }
0x48: {  	v53 =	vld.idx.msk [tilespmem:v0+s24+$0x450 ss:$0x1], $0xffff;
	[tilespmem:v3+s23+$0x100 ss:$0x1] =	vst.idx.msk $0xffff, v50  }
0x49: {  	v54 =	vld.idx.msk [tilespmem:v0+s24+$0x460 ss:$0x1], $0xffff;
	[tilespmem:v3+s23+$0x110 ss:$0x1] =	vst.idx.msk $0xffff, v51  }
0x4a: {  	[tilespmem:v3+s23+$0x120 ss:$0x1] =	vst.idx.msk $0xffff, v4;
	v4 =	vld.idx.msk [tilespmem:v0+s24+$0x470 ss:$0x1], $0xffff  }
0x4b: {  	[tilespmem:v3+s23+$0x130 ss:$0x1] =	vst.idx.msk $0xffff, v5;
	v5 =	vld.idx.msk [tilespmem:v1+s25+$0x800 ss:$0x1], $0xffff  }
0x4c: {  	v55 =	vld.idx.msk [tilespmem:v0+s24+$0x810 ss:$0x1], $0xffff;
	[tilespmem:v3+s23+$0x140 ss:$0x1] =	vst.idx.msk $0xffff, v52  }
0x4d: {  	v56 =	vld.idx.msk [tilespmem:v0+s24+$0x820 ss:$0x1], $0xffff;
	[tilespmem:v3+s23+$0x150 ss:$0x1] =	vst.idx.msk $0xffff, v53  }
0x4e: {  	v57 =	vld.idx.msk [tilespmem:v0+s24+$0x830 ss:$0x1], $0xffff;
	[tilespmem:v3+s23+$0x160 ss:$0x1] =	vst.idx.msk $0xffff, v54  }
0x4f: {  	[tilespmem:v3+s23+$0x170 ss:$0x1] =	vst.idx.msk $0xffff, v4;
	v4 =	vld.idx.msk [tilespmem:v0+s24+$0x840 ss:$0x1], $0xffff  }
0x50: {  	[tilespmem:v3+s23+$0x200 ss:$0x1] =	vst.idx.msk $0xffff, v5;
	v5 =	vld.idx.msk [tilespmem:v0+s24+$0x850 ss:$0x1], $0xffff  }
0x51: {  	v58 =	vld.idx.msk [tilespmem:v0+s24+$0x860 ss:$0x1], $0xffff;
	[tilespmem:v3+s23+$0x210 ss:$0x1] =	vst.idx.msk $0xffff, v55  }
0x52: {  	v59 =	vld.idx.msk [tilespmem:v0+s24+$0x870 ss:$0x1], $0xffff;
	[tilespmem:v3+s23+$0x220 ss:$0x1] =	vst.idx.msk $0xffff, v56  }
0x53: {  	v60 =	vld.idx.msk [tilespmem:v1+s25+$0xC00 ss:$0x1], $0xffff;
	[tilespmem:v3+s23+$0x230 ss:$0x1] =	vst.idx.msk $0xffff, v57  }
0x54: {  	[tilespmem:v3+s23+$0x240 ss:$0x1] =	vst.idx.msk $0xffff, v4;
	v4 =	vld.idx.msk [tilespmem:v0+s24+$0xC10 ss:$0x1], $0xffff  }
0x55: {  	[tilespmem:v3+s23+$0x250 ss:$0x1] =	vst.idx.msk $0xffff, v5;
	v5 =	vld.idx.msk [tilespmem:v0+s24+$0xC20 ss:$0x1], $0xffff  }
0x56: {  	v61 =	vld.idx.msk [tilespmem:v0+s24+$0xC30 ss:$0x1], $0xffff;
	[tilespmem:v3+s23+$0x260 ss:$0x1] =	vst.idx.msk $0xffff, v58  }
0x57: {  	v62 =	vld.idx.msk [tilespmem:v0+s24+$0xC40 ss:$0x1], $0xffff;
	[tilespmem:v3+s23+$0x270 ss:$0x1] =	vst.idx.msk $0xffff, v59  }
0x58: {  	v63 =	vld.idx.msk [tilespmem:v0+s24+$0xC50 ss:$0x1], $0xffff;
	[tilespmem:v3+s23+$0x300 ss:$0x1] =	vst.idx.msk $0xffff, v60  }
0x59: {  	[tilespmem:v3+s23+$0x310 ss:$0x1] =	vst.idx.msk $0xffff, v4;
	v4 =	vld.idx.msk [tilespmem:v0+s24+$0xC60 ss:$0x1], $0xffff  }
0x5a: {  	p2 =	por p1, p1;
	[tilespmem:v3+s23+$0x320 ss:$0x1] =	vst.idx.msk $0xffff, v5;
	v5 =	vld.idx.msk [tilespmem:v0+s24+$0xC70 ss:$0x1], $0xffff  }
.Ltmp3:
0x5b: {  	[tilespmem:v3+s23+$0x330 ss:$0x1] =	vst.idx.msk $0xffff, v61;
	(pc) =	sbr.rel @p2 .LBB1_5-.Ltmp3, $4  }
0x5c: {  	[tilespmem:v3+s23+$0x340 ss:$0x1] =	vst.idx.msk $0xffff, v62  }
0x5d: {  	[tilespmem:v3+s23+$0x350 ss:$0x1] =	vst.idx.msk $0xffff, v63  }
0x5e: {  	[tilespmem:v3+s23+$0x360 ss:$0x1] =	vst.idx.msk $0xffff, v4  }
0x5f: {  	p1 =	por $0x0, $0x0;
	[tilespmem:v3+s23+$0x370 ss:$0x1] =	vst.idx.msk $0xffff, v5;
	s23 =	simm.s32 $0x200  }
0x60: {  	s21 =	sadd.s32 $0x1, s21  }
0x61: {  	p1 =	sne.s32 s21, $0x8  }
.Ltmp4:
0x62: {  	_ = 	snop;
	(pc) =	sbr.rel @p1 .LBB1_4-.Ltmp4, $1  }
0x63: {  	_ =	sdelay $0x3  }
.Ltmp5:
0x64: {  	(pc) =	sbr.rel @p0 .LBB1_3-.Ltmp5, $2  }
0x65: {  	_ =	sdelay $0x2  }
0x66: {  	s19 =	simm.s32 $0x1;
	p1 =	por $0x0, $0x0  }
0x67: {  	s18 =	sshrl.u32 s16, $0x1  }
0x68: {  	s19 =	sshll.u32 s15, $0x1;
	s26 =	sshll.u32 s16, $0x7;
	s18 =	smul.u32 $0xC8000, s18  }
0x69: {  	s27 =	sand.u32 $0x7F, s15;
	s19 =	sand.u32 $0xFFFFFF00, s19;
	s16 =	sand.u32 $0x80, s26  }
0x6a: {  	s15 =	sor.u32 s16, s27;
	s18 =	sadd.s32 s18, s19  }
0x6b: {  	s15 =	sor.u32 s18, s15;
	s18 =	smulhi.u32 $0x51EB851F, s18  }
0x6c: {  	s28 =	smulhi.u32 $0x51EB851F, s15;
	_ =	sdelay $0x1  }
0x6d: {  	s18 =	sshrl.u32 s18, $0x11;
	s16 =	sshrl.u32 s28, $0x11  }
0x6e: {  	s18 =	sand.u32 $0x1, s18;
	s16 =	smul.u32 $0x64000, s16  }
0x6f: {  	s14 =	smul.u32 $0x19000, s14;
	p0 =	seq.s32 s18, $0x1  }
.Ltmp6:
0x70: {  	s15 =	ssub.s32 s15, s16;
	s16 =	simm.s32 $0xC800;
	(pc) =	sbr.rel .LBB1_9-.Ltmp6, $4  }
0x71: {  	s14 =	sadd.s32 s3, s14;
	s16 =	simm.s32 @!p0 $0x0;
	s29 =	sand.u32 $0x7, s15  }
0x72: {  	s15 =	sshrl.u32 s15, $0x3;
	s14 =	sadd.s32 s16, s14;
	s30 =	sshll.u32 s29, $0x12  }
0x73: {  	s14 =	sadd.s32 s15, s14;
	s31 =	sor.u32 $0x800, s30  }
0x74: {  	[hbm4b:s14+s31] =	stream.strided.scatter [tilespmem:s17], [sflag:$0x2], $0x4000, s9, s31, $0x38;
	[tilespmem:$0x10000] =	vst v63  }
.LBB1_10:
0x75: {  	_ =	sfence.sel $0x180000  }
0x76: {  	s1 =	simm.s32 $0x1;
	[bflag:$0x0] =	sbarrier.arrive $0xFFFF  }
0x77: {  	s31 =	simm.s32 $0x2;
	[sflag:s1] =	ssyncpa.u1 $0x1  }
0x78: {  	[sflag:s31] =	ssyncpa.u1 $0x1  }
0x79: {  	p0 =	sne.s32 s0, $0x0;
	_ =	strace $0x9000004A  }
0x7a: {  	s0 =	sadd.s32 @!p0 $0x100000, s4;
	[bflag:$0x2] =	sbarrier.arrive $0xFFFF  }
0x7b: {  	[sflag:s0] =	ssyncadd.tile.s32 @!p0 $0x1;
	_ =	shalt  }
.Lfunc_end1:
_tile_overlayer_lowered:
.L_overlay_start_2:
0x7c: {  	(tag) =	ssettag $0x2  }
0x7d: {  	s0 =	rddreg [dreg:$0x0];
	s2 =	stileid.u32  }
0x7e: {  	s1 =	rddreg [dreg:$0x1];
	p0 =	sne.s32 s2, $0x0  }
0x7f: {  	s3 =	rddreg [dreg:$0x2];
	[bflag:$0x3] =	sbarrier.arrive $0xFFFF;
	s2 =	simm.s32 @!p0 $0x1C01  }
0x80: {  	[timem:s3], [sflag:s2] =	dma.local @!p0 [hbm:s0], s1  }
0x81: {  	s0 =	simm.s32 @!p0 $0x1  }
0x82: {  	_ =	swait.ge @!p0 [sflag:s0], s1  }
0x83: {  	s1 =	ssub.s32 @!p0 $0x0, s1;
	[sflag:s0] =	ssyncset.done @!p0 $0x0  }
0x84: {  	[sflag:s0] =	ssyncadd.s32 @!p0 s1  }
0x85: {  	[bflag:$0x3] =	sbarrier.arrive $0xFFFF  }
0x86: {  	_ =	shalt  }

// kernel: sparse-core-data-format-call.cloned.1.call-start
scs
called_computation_lowered:
.L_overlay_start_0:
0x0: {  	s2 =	sld [smem:$0x3FD9]  }
0x1: {  	s3 =	sld [smem:$0x3FFE];
	_ =	sdelay $0x1  }
0x2: {  	s1 =	srdreg.scid  }
0x3: {  	s0 =	sand.u32 $0x1, s1  }
0x4: {  	s15 =	sshll.u32 s0, $0xA;
	s2 =	sadd.s32 s3, s2  }
0x5: {  	s2 =	sadd.s32 s2, s15  }
0x6: {  	[smem:$0x3FBD] =	sst s2  }
0x7: {  	_ = 	snop  }
0x8: {  	s2 =	sld [smem:$0x3FD0];
	_ =	sdelay $0x2  }
0x9: {  	s16 =	simm.s32 $0xA;
	s4 =	simm.s32 $0x10  }
0xa: {  	[smem:s4], [sflag:s16] =	dma.local [hbm:s2], $0x1  }
0xb: {  	_ =	swait.eq [sflag:s16], $0x1  }
0xc: {  	[sflag:s16] =	ssyncset.done $0x0  }
0xd: {  	[sflag:s16] =	ssyncadd.s32 $0xFFFFFFFF  }
0xe: {  	s17 =	sld [smem:$0x10];
	(tm) =	ssettm $0x1  }
0xf: {  	s18 =	sld [smem:$0x3FFB];
	_ =	sdelay $0x3  }
0x10: {  	_ =	strace s18  }
0x11: {  	s3 =	sld [smem:$0x3FFC];
	_ =	sdelay $0x3  }
0x12: {  	_ =	strace s3  }
0x13: {  	s3 =	sld [smem:$0x3FFD];
	_ =	sdelay $0x3  }
0x14: {  	_ =	strace s3  }
0x15: {  	_ =	strace $0x8FFFFFFF  }
0x16: {  	s19 =	sld [smem:$0x3FDB];
	_ =	sdelay $0x1  }
0x17: {  	s20 =	simm.s32 $_scs_section_size  }
0x18: {  	s5 =	simm.s32 $_size__tile_overlayer_lowered;
	s6 =	simm.s32 $_tile_overlayer_lowered  }
0x19: {  	s23 =	simm.s32 $0x1BFF;
	s22 =	sshll.u32 s6, $0x1;
	s3 =	sadd.s32 s20, s19  }
0x1a: {  	s7 =	simm.s32 $0x0;
	s21 =	sshll.u32 s5, $0x1;
	s5 =	sadd.s32 s22, s3  }
0x1b: {  	[timem:s7], [sflag:s23] =	dma.local [hbm:s5], s21  }
0x1c: {  	_ =	swait.ge [sflag:s23], s21  }
0x1d: {  	s4 =	ssub.s32 $0x0, s21;
	[sflag:s23] =	ssyncset.done $0x0  }
0x1e: {  	[sflag:s23] =	ssyncadd.s32 s4;
	_ =	sdelay $0x1  }
0x1f: {  	s24 =	simm.s32 $0x1B8B  }
0x20: {  	_ =	swait.ge [sflag:s24], $0x1  }
0x21: {  	[sflag:s24] =	ssyncset.done $0x0  }
0x22: {  	s26 =	simm.s32 $0x1B8E;
	s25 =	sld [smem:$0x3FFE];
	[sflag:s24] =	ssyncadd.s32 $0xFFFFFFFF  }
0x23: {  	s27 =	simm.s32 $execute0_lowered;
	[smem:$0x3FD2] =	sst s26  }
0x24: {  	s5 =	sshll.u32 s27, $0x1;
	_ =	strace $0x8000004C;
	[dreg:$0x1] =	wrdreg $0xFFFFFFFF  }
0x25: {  	s28 =	simm.s32 $_size_execute0_lowered;
	s3 =	sadd.s32 s3, s5;
	[dreg:$0x0] =	wrdreg $0x0  }
0x26: {  	s5 =	sshll.u32 s28, $0x1;
	[dreg:$0x2] =	wrdreg s3  }
0x27: {  	[dreg:$0x3] =	wrdreg s5  }
0x28: {  	[dreg:$0x4] =	wrdreg $0xC0  }
0x29: {  	_ =	task [dreg:s7], $0x5FFFF  }
0x2a: {  	[dreg:$0x1] =	wrdreg $0xFFFFFFFF  }
0x2b: {  	[dreg:$0x0] =	wrdreg $0x60  }
0x2c: {  	[dreg:$0x2] =	wrdreg s25  }
0x2d: {  	[dreg:$0x3] =	wrdreg s17  }
0x2e: {  	[dreg:$0x4] =	wrdreg $0x9  }
0x2f: {  	_ =	task.clear_ibuf [dreg:s7], $0x5FFFF;
	_ =	strace $0x9000004C  }
0x30: {  	s29 =	simm.s32 $0x9;
	_ =	strace $0x8000004E  }
0x31: {  	_ =	swait.ge [sflag:s29], $0x1  }
0x32: {  	[sflag:s29] =	ssyncadd.s32 $0xFFFFFFFF  }
0x33: {  	_ =	strace $0x9000004E  }
0x34: {  	_ =	sfence  }
0x35: {  	s30 =	sld [smem:$0x0];
	_ =	sdelay $0x2  }
0x36: {  	s31 =	sshll.u32 s1, $0xD;
	s1 =	sshrl.u32 s1, $0x2  }
0x37: {  	s3 =	sand.u32 $0x4000, s31;
	s1 =	sadd.s32 s1, s30  }
0x38: {  	s0 =	sor.u32 s3, s0;
	s1 =	sshll.u32 s1, $0x11  }
0x39: {  	s0 =	sor.u32 s1, s0  }
0x3a: {  	s0 =	sadd.s32 $0x8F2B, s0  }
0x3b: {  	[sflag:s0] =	ssyncadd.remote.s32 $0x1  }
0x3c: {  	_ =	sfence.sel $0xFFFF  }
0x3d: {  	[dreg:$0x0] =	wrdreg $0xFFFFFFFF;
	(pc) =	sbr.abs _section_cstart, $3  }
0x3e: {  	[dreg:$0x1] =	wrdreg $0xFFFFFFFF  }
0x3f: {  	_ =	task.clear_ibuf [dreg:s7], $0x2FFFF;
	_ =	strace $0x9FFFFFFF  }
0x40: {  	(tm) =	ssettm $0x7FFFFFFF  }
0x41: {  	_ =	shalt  }
tec
execute0_lowered:
.L_overlay_start_1:
0x0: {  	(tag) =	ssettag $0x1  }
0x1: {  	s1 =	rddreg [dreg:$0x0]  }
0x2: {  	s2 =	rddreg [dreg:$0x1]  }
0x3: {  	s0 =	rddreg [dreg:$0x2]  }
0x4: {  	s4 =	srdreg.scid;
	_ =	strace $0x8000004D;
	s6 =	simm.s32 $0x2  }
0x5: {  	s15 =	simm.s32 $0x0;
	p0 =	por $0x0, $0x0;
	s14 =	simm.s32 $0x0  }
0x6: {  	s16 =	simm.s32 $0x0;
	s7 =	simm.s32 $0x0;
	s9 =	simm.s32 $0x0  }
.Ltmp0:
0x7: {  	s10 =	simm.s32 $0x0;
	s11 =	simm.s32 $0x0;
	(pc) =	sbr.rel .LBB1_1-.Ltmp0, $4  }
0x8: {  	s12 =	simm.s32 $0x0;
	s3 =	sadd.s32 $0x22200, s1;
	s4 =	sshll.u32 s4, $0x4  }
0x9: {  	s1 =	stileid.u32;
	s5 =	sand.u32 $0x10, s4;
	s4 =	simm.s32 $0x1  }
0xa: {  	s8 =	simm.s32 $0x0;
	s5 =	sor.u32 s1, s5;
	[sflag:s4] =	ssyncpa.u1 $0x0  }
0xb: {  	[sflag:s6] =	ssyncpa.u1 $0x0;
	s6 =	simm.s32 $0x40000;
	s13 =	smov.u32 s5  }
.LBB1_5:
0xc: {  	p1 =	slt.u32 s8, $0x2;
	s18 =	smov.u32 s16  }
0xd: {  	p2 =	sgt.s32 @!p1 s15, $0x48;
	s17 =	sshra.s32 @!p1 s15, $0x1F;
	p3 =	sgt.s32 @!p1 s16, $0x3F  }
0xe: {  	s19 =	sshra.s32 @!p1 s16, $0x1F;
	p2 =	por !p2, p1;
	s17 =	sand.u32 @!p1 s17, s15  }
0xf: {  	p3 =	por !p3, p1;
	s16 =	sand.u32 @!p1 s19, s16;
	s19 =	sshra.s32 @!p1 s14, $0x1F  }
0x10: {  	s18 =	simm.s32 @p3 $0x3F;
	p3 =	sgt.s32 @!p1 s14, $0xF80;
	s15 =	simm.s32 @p2 $0x48  }
0x11: {  	s16 =	ssub.s32 @!p1 s18, s16;
	p3 =	por !p3, p1;
	s18 =	smov.u32 s14  }
0x12: {  	s14 =	sand.u32 @!p1 s19, s14;
	s15 =	ssub.s32 @!p1 s15, s17;
	s18 =	simm.s32 @p3 $0xF80  }
0x13: {  	s17 =	sadd.s32 @!p1 $0xFFFFFFC1, s16;
	s16 =	ssub.s32 @!p1 $0x40, s16;
	s14 =	ssub.s32 @!p1 s18, s14  }
0x14: {  	s18 =	sadd.s32 @!p1 $0xFFFFFFB8, s15;
	p2 =	sgt.s32 @!p1 s17, $0x0;
	s17 =	sadd.s32 @!p1 $0xFFFFF080, s14  }
0x15: {  	s15 =	ssub.s32 @!p1 $0xC8, s15;
	p2 =	por !p2, p1;
	p3 =	sgt.s32 @!p1 s17, $0x7F  }
0x16: {  	s14 =	ssub.s32 @!p1 $0x1000, s14;
	s16 =	simm.s32 @!p2 $0x0;
	p2 =	por !p3, p1  }
0x17: {  	s17 =	sadd.s32 $0x80, s11;
	p3 =	sgt.s32 @!p1 s18, $0x7F;
	s14 =	simm.s32 @!p2 $0x0  }
0x18: {  	s18 =	smov.u32 s12;
	p2 =	por !p3, p1;
	s14 =	smul.u32 @!p1 s16, s14  }
0x19: {  	s15 =	simm.s32 @!p2 $0x0;
	p2 =	sgt.s32 s17, $0xC7;
	s16 =	sadd.s32 $0x80, s12  }
0x1a: {  	s19 =	smov.u32 s13;
	s18 =	smov.u32 @p2 s16  }
0x1b: {  	s14 =	smul.u32 @!p1 s15, s14;
	p3 =	sgt.s32 s18, $0xFFF;
	s15 =	sadd.s32 $0x20, s13  }
0x1c: {  	s8 =	sadd.s32 $0x1, s8;
	p0 =	por !p0, !p0;
	s19 =	smov.u32 @p3 s15  }
0x1d: {  	s20 =	simm.s32 @!p1 $0x2;
	s17 =	simm.s32 @p2 $0x0;
	p2 =	sgt.s32 s19, $0x3F  }
0x1e: {  	s16 =	smov.u32 s10;
	s19 =	smov.u32 @p2 s5;
	p2 =	sne.s32 s8, $0x82  }
.Ltmp1:
0x1f: {  	s10 =	smov.u32 s13;
	s18 =	simm.s32 @p3 $0x0;
	(pc) =	sbr.rel @!p2 .LBB1_6-.Ltmp1, $4  }
0x20: {  	s15 =	smov.u32 s7;
	s7 =	smov.u32 s11;
	s14 =	sand.u32 @!p1 $0x3FFFFFFF, s14  }
0x21: {  	s11 =	smov.u32 s17;
	_ =	swait.ge @!p1 [sflag:s20], s14;
	s21 =	ssub.s32 @!p1 $0x0, s14  }
0x22: {  	s14 =	smov.u32 s9;
	s9 =	smov.u32 s12;
	[sflag:s20] =	ssyncset.done @!p1 $0x0  }
0x23: {  	s12 =	smov.u32 s18;
	s13 =	smov.u32 s19;
	[sflag:s20] =	ssyncadd.s32 @!p1 s21  }
.LBB1_1:
0x24: {  	p1 =	sgt.u32 s8, $0x7F  }
0x25: {  	s17 =	sxor.u32 @!p1 $0xFFFFFFFF, s8  }
0x26: {  	s18 =	sshll.u32 @!p1 s12, $0x8;
	s19 =	sshll.u32 @!p1 s11, $0x3;
	s20 =	sshll.u32 @!p1 s12, $0x7  }
0x27: {  	s21 =	sand.u32 @!p1 $0x78, s11;
	s18 =	sand.u32 @!p1 $0xFF800, s18;
	s19 =	sand.u32 @!p1 $0xFFC00, s19  }
0x28: {  	s17 =	sshll.u32 @!p1 s17, $0xE;
	s18 =	sadd.s32 @!p1 s18, s19;
	s19 =	sand.u32 @!p1 $0x300, s20  }
0x29: {  	s17 =	sand.u32 @!p1 $0x4000, s17;
	s18 =	sor.u32 @!p1 s19, s18;
	s19 =	sand.u32 @!p1 $0x80, s20  }
0x2a: {  	s20 =	sshll.u32 @!p1 s13, $0x11;
	s19 =	sor.u32 @!p1 s21, s19;
	s18 =	sshrl.u32 @!p1 s18, $0x3  }
0x2b: {  	s20 =	sadd.s32 @!p1 s3, s20;
	s21 =	sand.u32 @!p1 $0x7, s11;
	s19 =	sshrl.u32 @!p1 s19, $0x3  }
0x2c: {  	s18 =	sand.u32 @!p1 $0x1FFE0, s18;
	s19 =	sadd.s32 @!p1 s19, s20;
	s20 =	sshll.u32 @!p1 s21, $0x12  }
0x2d: {  	s18 =	sadd.s32 @!p1 s18, s19;
	s19 =	sor.u32 @!p1 $0x400, s20;
	s20 =	simm.s32 @!p1 $0x800  }
0x2e: {  	[tilespmem:s17], [sflag:$0x1] =	stream.strided.gather @!p1 [hbm4b:s18+s19], $0x4000, s20, s19, $0x38;
	[tilespmem:$0x10100] =	vst v63  }
0x2f: {  	p1 =	seq.s32 s8, $0x0  }
0x30: {  	p2 =	seq.s32 @!p1 s8, $0x81  }
0x31: {  	p1 =	por p1, p2  }
.Ltmp2:
0x32: {  	_ = 	snop;
	(pc) =	sbr.rel @p1 .LBB1_5-.Ltmp2, $1  }
0x33: {  	_ =	sdelay $0x3  }
0x34: {  	s17 =	simm.s32 $0x1  }
0x35: {  	_ =	swait.ge [sflag:s4], $0x4000;
	s17 =	simm.s32 @!p0 $0x0  }
0x36: {  	[sflag:s4] =	ssyncset.done $0x0;
	s18 =	sshll.u32 s17, $0xE  }
0x37: {  	[sflag:s4] =	ssyncadd.s32 $0xFFFFC000;
	s18 =	sor.u32 $0x40, s18  }
0x38: {  	s17 =	smul.u32 $0x10200, s17;
	v0 =	vld [tilespmem:s18+$0x30]  }
0x39: {  	v1 =	vld [tilespmem:s18+$0xFFFFFFD0]  }
0x3a: {  	s17 =	sshrl.u32 s17, $0x2;
	v5 =	vld [tilespmem:s18+$0xFFFFFFE0]  }
0x3b: {  	v6 =	vld [tilespmem:s18+$0xFFFFFFF0];
	s20 =	sor.u32 $0x8000, s17  }
0x3c: {  	s31 =	sand.u32 $0x1, s8;
	v4 =	vld [tilespmem:s18+$0x0];
	s19 =	sadd.s32 $0x0, s20  }
0x3d: {  	v3 =	vld [tilespmem:s18+$0x10];
	s17 =	smul.u32 $0x10200, s31;
	[tilespmem:s19+$0x3870 ss:$0x81] =	vst.msk $0xffff, v0  }
0x3e: {  	v2 =	vld [tilespmem:s18+$0x20];
	[tilespmem:s19+$0x810 ss:$0x81] =	vst.msk $0xffff, v1  }
0x3f: {  	s17 =	sshrl.u32 s17, $0x2;
	v1 =	vld [tilespmem:s18+$0xFFFFFFC0];
	[tilespmem:s19+$0x1020 ss:$0x81] =	vst.msk $0xffff, v5;
	s18 =	sadd.s32 $0x80, s18  }
0x40: {  	s21 =	simm.s32 $0x4;
	s22 =	simm.s32 $0x8;
	s17 =	sor.u32 $0x8000, s17;
	[tilespmem:s19+$0x1830 ss:$0x81] =	vst.msk $0xffff, v6;
	v0 =	vld [tilespmem:s18+$0x30]  }
.LBB1_3:
0x41: {  	p1 =	sne.s32 s22, $0x1FC;
	v5 =	vld [tilespmem:s18+$0xFFFFFFD0];
	[tilespmem:s19+$0x2040 ss:$0x81] =	vst.msk $0xffff, v4  }
0x42: {  	v6 =	vld [tilespmem:s18+$0xFFFFFFE0];
	[tilespmem:s19+$0x2850 ss:$0x81] =	vst.msk $0xffff, v3  }
0x43: {  	s23 =	sshra.s32 s21, $0x2;
	s21 =	smov.u32 s22;
	v7 =	vld [tilespmem:s18+$0xFFFFFFF0];
	[tilespmem:s19+$0x3060 ss:$0x81] =	vst.msk $0xffff, v2  }
.Ltmp3:
0x44: {  	v4 =	vld [tilespmem:s18+$0x0];
	[tilespmem:s19+$0x0 ss:$0x81] =	vst.msk $0xffff, v1;
	s19 =	sadd.s32 s23, s20;
	(pc) =	sbr.rel @p1 .LBB1_3-.Ltmp3, $4  }
0x45: {  	v3 =	vld [tilespmem:s18+$0x10];
	[tilespmem:s19+$0x3870 ss:$0x81] =	vst.msk $0xffff, v0  }
0x46: {  	[tilespmem:s19+$0x810 ss:$0x81] =	vst.msk $0xffff, v5;
	v2 =	vld [tilespmem:s18+$0x20]  }
0x47: {  	v1 =	vld [tilespmem:s18+$0xFFFFFFC0];
	[tilespmem:s19+$0x1020 ss:$0x81] =	vst.msk $0xffff, v6;
	s18 =	sadd.s32 $0x80, s18  }
0x48: {  	s22 =	sadd.s32 $0x4, s22;
	v0 =	vld [tilespmem:s18+$0x30];
	[tilespmem:s19+$0x1830 ss:$0x81] =	vst.msk $0xffff, v7  }
0x49: {  	s21 =	sshra.s32 s21, $0x2;
	s28 =	sand.u32 $0x78, s9  }
0x4a: {  	s22 =	sshll.u32 s10, $0x7;
	p1 =	sgt.s32 s10, $0x3F;
	s23 =	smov.u32 s10  }
0x4b: {  	s24 =	sshra.s32 s10, $0x1F;
	s25 =	smov.u32 s7;
	s26 =	sshra.s32 s9, $0x1F  }
0x4c: {  	s31 =	sshll.u32 s10, $0xC;
	s27 =	sshra.s32 s7, $0x1F;
	s20 =	sadd.s32 s21, s20  }
0x4d: {  	s22 =	sand.u32 $0x380, s22;
	s23 =	simm.s32 @!p1 $0x3F;
	p1 =	sgt.s32 s7, $0x48  }
0x4e: {  	s24 =	sand.u32 s24, s10;
	s30 =	sand.u32 s26, s9;
	s26 =	sand.u32 $0x38000, s31  }
0x4f: {  	s31 =	sshll.u32 s9, $0x3;
	s21 =	sor.u32 s22, s28;
	s25 =	simm.s32 @!p1 $0x48  }
0x50: {  	v5 =	vld [tilespmem:s18+$0xFFFFFFD0];
	[tilespmem:s19+$0x2040 ss:$0x81] =	vst.msk $0xffff, v4;
	s29 =	ssub.s32 s23, s24;
	p1 =	sgt.s32 s9, $0xF80;
	s24 =	smov.u32 s9  }
0x51: {  	v58 =	vld [tilespmem:s18+$0xFFFFFFE0];
	[tilespmem:s19+$0x2850 ss:$0x81] =	vst.msk $0xffff, v3;
	s26 =	sadd.s32 s26, s31;
	s23 =	sadd.s32 $0xFFFFFFC1, s29;
	s24 =	simm.s32 @!p1 $0xF80  }
0x52: {  	v59 =	vld [tilespmem:s18+$0xFFFFFFF0];
	[tilespmem:s19+$0x3060 ss:$0x81] =	vst.msk $0xffff, v2;
	p1 =	sgt.s32 s23, $0x0;
	s23 =	ssub.s32 s24, s30;
	s24 =	sand.u32 s27, s7  }
0x53: {  	v60 =	vld [tilespmem:s18+$0x0];
	s22 =	ssub.s32 $0x40, s29;
	[tilespmem:s19+$0x0 ss:$0x81] =	vst.msk $0xffff, v1;
	s27 =	sshll.u32 s7, $0xF;
	s28 =	ssub.s32 s25, s24  }
0x54: {  	v61 =	vld [tilespmem:s18+$0x10];
	[tilespmem:s20+$0x3870 ss:$0x81] =	vst.msk $0xffff, v0;
	s22 =	simm.s32 @p1 $0x0;
	s29 =	sadd.s32 $0xFFFFF080, s23;
	s23 =	ssub.s32 $0x1000, s23  }
0x55: {  	v62 =	vld [tilespmem:s18+$0x20];
	[tilespmem:s20+$0x810 ss:$0x81] =	vst.msk $0xffff, v5;
	s25 =	sand.u32 $0xC00, s31;
	p1 =	sgt.s32 s29, $0x7F;
	s30 =	sadd.s32 $0xFFFFFFB8, s28  }
0x56: {  	v63 =	vld [tilespmem:s18+$0xFFFFFFC0];
	[tilespmem:s20+$0x1020 ss:$0x81] =	vst.msk $0xffff, v58;
	s19 =	ssub.s32 $0xC8, s28;
	s21 =	sor.u32 s25, s21;
	s23 =	simm.s32 @p1 $0x0  }
0x57: {  	[tilespmem:s20+$0x1830 ss:$0x81] =	vst.msk $0xffff, v59;
	s28 =	sshrl.u32 s26, $0x3;
	p1 =	sgt.s32 s30, $0x7F;
	s23 =	smul.u32 s22, s23  }
.Ltmp4:
0x58: {  	[tilespmem:s20+$0x2040 ss:$0x81] =	vst.msk $0xffff, v60;
	s29 =	sand.u32 $0x7, s9;
	s19 =	simm.s32 @p1 $0x0;
	(pc) =	sbr.rel .LBB1_5-.Ltmp4, $4  }
0x59: {  	[tilespmem:s20+$0x2850 ss:$0x81] =	vst.msk $0xffff, v61;
	s22 =	sand.u32 $0x7E00, s28;
	s18 =	smul.u32 s19, s23;
	s19 =	sadd.s32 s2, s27  }
0x5a: {  	[tilespmem:s20+$0x3060 ss:$0x81] =	vst.msk $0xffff, v62;
	s21 =	sshrl.u32 s21, $0x3;
	s30 =	sshll.u32 s29, $0x12;
	s19 =	sadd.s32 s22, s19  }
0x5b: {  	[tilespmem:s20+$0x0 ss:$0x81] =	vst.msk $0xffff, v63;
	s31 =	sor.u32 $0x80, s30;
	s18 =	sand.u32 $0x3FFFFFFF, s18;
	s19 =	sadd.s32 s21, s19  }
0x5c: {  	[hbm4b:s19+s31] =	stream.strided.scatter [tilespmem:s17], [sflag:$0x2], s18, s6, s31, $0x20;
	[tilespmem:$0x10100] =	vst v63  }
.LBB1_6:
0x5d: {  	_ =	sfence.sel $0x180000  }
0x5e: {  	s2 =	simm.s32 $0x1;
	[bflag:$0x0] =	sbarrier.arrive $0xFFFF  }
0x5f: {  	s31 =	simm.s32 $0x2;
	[sflag:s2] =	ssyncpa.u1 $0x1  }
0x60: {  	[sflag:s31] =	ssyncpa.u1 $0x1  }
0x61: {  	p0 =	sne.s32 s1, $0x0;
	_ =	strace $0x9000004D  }
0x62: {  	s0 =	sadd.s32 @!p0 $0x100000, s0;
	[bflag:$0x2] =	sbarrier.arrive $0xFFFF  }
0x63: {  	[sflag:s0] =	ssyncadd.tile.s32 @!p0 $0x1;
	_ =	shalt  }
.Lfunc_end1:
_tile_overlayer_lowered:
.L_overlay_start_2:
0x64: {  	(tag) =	ssettag $0x2  }
0x65: {  	s0 =	rddreg [dreg:$0x0];
	s2 =	stileid.u32  }
0x66: {  	s1 =	rddreg [dreg:$0x1];
	p0 =	sne.s32 s2, $0x0  }
0x67: {  	s3 =	rddreg [dreg:$0x2];
	[bflag:$0x3] =	sbarrier.arrive $0xFFFF;
	s2 =	simm.s32 @!p0 $0x1C01  }
0x68: {  	[timem:s3], [sflag:s2] =	dma.local @!p0 [hbm:s0], s1  }
0x69: {  	s0 =	simm.s32 @!p0 $0x1  }
0x6a: {  	_ =	swait.ge @!p0 [sflag:s0], s1  }
0x6b: {  	s1 =	ssub.s32 @!p0 $0x0, s1;
	[sflag:s0] =	ssyncset.done @!p0 $0x0  }
0x6c: {  	[sflag:s0] =	ssyncadd.s32 @!p0 s1  }
0x6d: {  	[bflag:$0x3] =	sbarrier.arrive $0xFFFF  }
0x6e: {  	_ =	shalt  }

</sc_bundles>
